<compile_context>
chip_gen: v7x
topology: tpu7x:2x2x1
jax: 0.10.2.dev20260603
libtpu: 0.0.44.dev20260713+nightly
codegen_flags: <defaults>
</compile_context>

<pallas_src>
import dataclasses
import functools

import jax
import jax.numpy as jnp
from jax import lax
from jax.experimental import pallas as pl
from jax.experimental.pallas import tpu as pltpu
from jax.experimental.pallas import tpu_sc as plsc

B = 16384
D = 32
L = 16
NC = 2
NS = 16
NW = NC * NS
BPW = B // NW


def _gmf_body(uid_hbm, iid_hbm, ubias_hbm, ibias_hbm, gb_hbm, uemb_hbm,
              iemb_hbm, w_hbm, b_hbm, idxt_hbm, out_hbm,
              uid_v, iid_v, urows_v, irows_v, ub_v, ib_v, w_v, gb_v, b_v,
              idxt_v, tbuf_v, out_v, sem_u, sem_i, sem_ub, sem_ib):
  wid = lax.axis_index("s") * NC + lax.axis_index("c")
  base = wid * BPW

  pltpu.sync_copy(w_hbm, w_v)
  pltpu.sync_copy(gb_hbm, gb_v)
  pltpu.sync_copy(b_hbm, b_v)
  pltpu.sync_copy(idxt_hbm, idxt_v)

  pltpu.sync_copy(uid_hbm.at[pl.ds(base, BPW)], uid_v)
  pltpu.sync_copy(iid_hbm.at[pl.ds(base, BPW)], iid_v)

  cu = pltpu.async_copy(uemb_hbm.at[uid_v], urows_v, sem_u)
  ci = pltpu.async_copy(iemb_hbm.at[iid_v], irows_v, sem_i)
  cub = pltpu.async_copy(ubias_hbm.at[uid_v], ub_v, sem_ub)
  cib = pltpu.async_copy(ibias_hbm.at[iid_v], ib_v, sem_ib)
  cu.wait()
  ci.wait()
  cub.wait()
  cib.wait()

  w0 = w_v[pl.ds(0, L)]
  w1 = w_v[pl.ds(L, L)]
  const = gb_v[...] + b_v[...]

  @pl.loop(0, BPW, step=L)
  def _(k0):
    sl = pl.ds(k0, L)
    for r in range(L):
      k = k0 + r
      u0 = urows_v[k, pl.ds(0, L)]
      u1 = urows_v[k, pl.ds(L, L)]
      i0 = irows_v[k, pl.ds(0, L)]
      i1 = irows_v[k, pl.ds(L, L)]
      tbuf_v[pl.ds(r * L, L)] = u0 * i0 * w0 + u1 * i1 * w1
    acc = ub_v[sl] + ib_v[sl] + const
    for d in range(L):
      acc = acc + plsc.load_gather(tbuf_v, [idxt_v[d, pl.ds(0, L)]])
    out_v[sl] = acc

  pltpu.sync_copy(out_v, out_hbm.at[pl.ds(base, BPW)])


@jax.jit
def kernel(user_id, item_id, user_bias, item_bias, global_bias, user_emb,
           item_emb, W, b):
  mesh = plsc.VectorSubcoreMesh(core_axis_name="c", subcore_axis_name="s",
                                num_cores=NC, num_subcores=NS)
  cp = pltpu.CompilerParams(needs_layout_passes=False,
                            use_tc_tiling_on_sc=False)
  run = pl.kernel(
      _gmf_body,
      out_type=jax.ShapeDtypeStruct((B,), jnp.float32),
      mesh=mesh,
      compiler_params=cp,
      scratch_types=[
          pltpu.VMEM((BPW,), jnp.int32),
          pltpu.VMEM((BPW,), jnp.int32),
          pltpu.VMEM((BPW, D), jnp.float32),
          pltpu.VMEM((BPW, D), jnp.float32),
          pltpu.VMEM((BPW,), jnp.float32),
          pltpu.VMEM((BPW,), jnp.float32),
          pltpu.VMEM((D,), jnp.float32),
          pltpu.VMEM((L,), jnp.float32),
          pltpu.VMEM((L,), jnp.float32),
          pltpu.VMEM((L, L), jnp.int32),
          pltpu.VMEM((L * L,), jnp.float32),
          pltpu.VMEM((BPW,), jnp.float32),
          pltpu.SemaphoreType.DMA,
          pltpu.SemaphoreType.DMA,
          pltpu.SemaphoreType.DMA,
          pltpu.SemaphoreType.DMA,
      ],
  )
  gb16 = jnp.broadcast_to(global_bias.reshape(()), (L,))
  b16 = jnp.broadcast_to(b.reshape(()), (L,))
  idxt = (jnp.arange(L, dtype=jnp.int32)[:, None]
          + L * jnp.arange(L, dtype=jnp.int32)[None, :])
  return run(user_id.astype(jnp.int32), item_id.astype(jnp.int32),
             user_bias, item_bias, gb16, user_emb, item_emb,
             W.reshape(D), b16, idxt)

# --- scband reference (transcript-rebuilt; emitter-appended) ---
"""Pipeline reference for scband-gmf-41575283425878 (READ-ONLY COPY).

The authoritative reference and input builder live on the scoring server;
editing this copy changes nothing except your own understanding.
"""

import jax, jax.numpy as jnp
import numpy as np

V_U = 1000001
V_I = 1000001
D = 32
B = 16384

def setup_inputs(seed: int = 0) -> dict:
    key = jax.random.key(seed)
    ks = jax.random.split(key, 8)
    user_id = jax.random.randint(ks[0], (B,), 0, 1000000)
    item_id = jax.random.randint(ks[1], (B,), 0, 1000000)
    user_bias = jnp.full((V_U,), 0.1, dtype=jnp.float32)
    item_bias = jnp.full((V_I,), 0.1, dtype=jnp.float32)
    global_bias = jnp.array([4.0], dtype=jnp.float32)
    user_emb = jax.random.normal(ks[2], (V_U, D), dtype=jnp.float32) * 0.02
    item_emb = jax.random.normal(ks[3], (V_I, D), dtype=jnp.float32) * 0.02
    W = jax.random.normal(ks[4], (1, D), dtype=jnp.float32) * 0.1
    b = jnp.zeros((1,), dtype=jnp.float32)
    return {"user_id": user_id, "item_id": item_id, "user_bias": user_bias,
            "item_bias": item_bias, "global_bias": global_bias,
            "user_emb": user_emb, "item_emb": item_emb, "W": W, "b": b}

def reference(user_id, item_id, user_bias, item_bias, global_bias, user_emb, item_emb, W, b):
    # bias gathers
    ub = jnp.take(user_bias, user_id, axis=0)
    ib = jnp.take(item_bias, item_id, axis=0)
    # embedding lookups (dropout p=0.0 -> identity, eval mode)
    u = jnp.take(user_emb, user_id, axis=0)
    it = jnp.take(item_emb, item_id, axis=0)
    joint = u * it
    rating = (joint @ W.T + b)[:, 0]
    return ub + ib + global_bias + rating

if __name__ == "__main__":
    import jax
    _d = setup_inputs()
    print(jax.jit(kernel)(*tuple(_d.values())))

</pallas_src>

<mosaic_0001>
#map = affine_map<(d0, d1) -> (0)>
#map1 = affine_map<(d0, d1) -> (0, 0)>
module attributes {stable_mosaic.version = 14 : i64} {
  func.func @_gmf_body(%arg0: i32, %arg1: i32, %arg2: memref<16384xi32, #tpu.memory_space<hbm>>, %arg3: memref<16384xi32, #tpu.memory_space<hbm>>, %arg4: memref<1000001xf32, #tpu.memory_space<hbm>>, %arg5: memref<1000001xf32, #tpu.memory_space<hbm>>, %arg6: memref<16xf32, #tpu.memory_space<hbm>>, %arg7: memref<1000001x32xf32, #tpu.memory_space<hbm>>, %arg8: memref<1000001x32xf32, #tpu.memory_space<hbm>>, %arg9: memref<32xf32, #tpu.memory_space<hbm>>, %arg10: memref<16xf32, #tpu.memory_space<hbm>>, %arg11: memref<16x16xi32, #tpu.memory_space<hbm>>, %arg12: memref<16384xf32, #tpu.memory_space<hbm>>, %arg13: memref<512xi32, #tpu.memory_space<vmem>>, %arg14: memref<512xi32, #tpu.memory_space<vmem>>, %arg15: memref<512x32xf32, #tpu.memory_space<vmem>>, %arg16: memref<512x32xf32, #tpu.memory_space<vmem>>, %arg17: memref<512xf32, #tpu.memory_space<vmem>>, %arg18: memref<512xf32, #tpu.memory_space<vmem>>, %arg19: memref<32xf32, #tpu.memory_space<vmem>>, %arg20: memref<16xf32, #tpu.memory_space<vmem>>, %arg21: memref<16xf32, #tpu.memory_space<vmem>>, %arg22: memref<16x16xi32, #tpu.memory_space<vmem>>, %arg23: memref<256xf32, #tpu.memory_space<vmem>>, %arg24: memref<512xf32, #tpu.memory_space<vmem>>, %arg25: memref<!tpu.dma_semaphore, #tpu.memory_space<semaphore_mem>>, %arg26: memref<!tpu.dma_semaphore, #tpu.memory_space<semaphore_mem>>, %arg27: memref<!tpu.dma_semaphore, #tpu.memory_space<semaphore_mem>>, %arg28: memref<!tpu.dma_semaphore, #tpu.memory_space<semaphore_mem>>) attributes {dimension_semantics = [#tpu.dimension_semantics<core_parallel>, #tpu.dimension_semantics<subcore_parallel>], iteration_bounds = array<i64: 2, 16>, scalar_prefetch = 0 : i64, scratch_operands = 16 : i64, tpu.core_type = #tpu.core_type<sc_vector_subcore>, window_params = [{transform_indices = #map}, {transform_indices = #map}, {transform_indices = #map}, {transform_indices = #map}, {transform_indices = #map}, {transform_indices = #map1}, {transform_indices = #map1}, {transform_indices = #map}, {transform_indices = #map}, {transform_indices = #map1}, {transform_indices = #map}]} {
    %mul3A = arith.constant 2 : i32
    %mul3A_0 = arith.muli %arg1, %mul3A : i32
    %add3A = arith.addi %mul3A_0, %arg0 : i32
    %mul3A_1 = arith.constant 512 : i32
    %mul3A_2 = arith.muli %add3A, %mul3A_1 : i32
    "tpu.region"() ({
      %run_scoped3A = tpu.sem_alloc : memref<!tpu.dma_semaphore, #tpu.memory_space<semaphore_mem>>
      tpu.enqueue_dma source(%arg9 : memref<32xf32, #tpu.memory_space<hbm>>) target(%arg19 : memref<32xf32, #tpu.memory_space<vmem>>) target_semaphore(%run_scoped3A : memref<!tpu.dma_semaphore, #tpu.memory_space<semaphore_mem>>)
      tpu.wait_dma2 semaphore(%run_scoped3A : memref<!tpu.dma_semaphore, #tpu.memory_space<semaphore_mem>>) src(%arg9 : memref<32xf32, #tpu.memory_space<hbm>>) dst(%arg19 : memref<32xf32, #tpu.memory_space<vmem>>)
      tpu.yield
    }) : () -> ()
    "tpu.region"() ({
      %run_scoped3A = tpu.sem_alloc : memref<!tpu.dma_semaphore, #tpu.memory_space<semaphore_mem>>
      tpu.enqueue_dma source(%arg6 : memref<16xf32, #tpu.memory_space<hbm>>) target(%arg20 : memref<16xf32, #tpu.memory_space<vmem>>) target_semaphore(%run_scoped3A : memref<!tpu.dma_semaphore, #tpu.memory_space<semaphore_mem>>)
      tpu.wait_dma2 semaphore(%run_scoped3A : memref<!tpu.dma_semaphore, #tpu.memory_space<semaphore_mem>>) src(%arg6 : memref<16xf32, #tpu.memory_space<hbm>>) dst(%arg20 : memref<16xf32, #tpu.memory_space<vmem>>)
      tpu.yield
    }) : () -> ()
    "tpu.region"() ({
      %run_scoped3A = tpu.sem_alloc : memref<!tpu.dma_semaphore, #tpu.memory_space<semaphore_mem>>
      tpu.enqueue_dma source(%arg10 : memref<16xf32, #tpu.memory_space<hbm>>) target(%arg21 : memref<16xf32, #tpu.memory_space<vmem>>) target_semaphore(%run_scoped3A : memref<!tpu.dma_semaphore, #tpu.memory_space<semaphore_mem>>)
      tpu.wait_dma2 semaphore(%run_scoped3A : memref<!tpu.dma_semaphore, #tpu.memory_space<semaphore_mem>>) src(%arg10 : memref<16xf32, #tpu.memory_space<hbm>>) dst(%arg21 : memref<16xf32, #tpu.memory_space<vmem>>)
      tpu.yield
    }) : () -> ()
    "tpu.region"() ({
      %run_scoped3A = tpu.sem_alloc : memref<!tpu.dma_semaphore, #tpu.memory_space<semaphore_mem>>
      tpu.enqueue_dma source(%arg11 : memref<16x16xi32, #tpu.memory_space<hbm>>) target(%arg22 : memref<16x16xi32, #tpu.memory_space<vmem>>) target_semaphore(%run_scoped3A : memref<!tpu.dma_semaphore, #tpu.memory_space<semaphore_mem>>)
      tpu.wait_dma2 semaphore(%run_scoped3A : memref<!tpu.dma_semaphore, #tpu.memory_space<semaphore_mem>>) src(%arg11 : memref<16x16xi32, #tpu.memory_space<hbm>>) dst(%arg22 : memref<16x16xi32, #tpu.memory_space<vmem>>)
      tpu.yield
    }) : () -> ()
    "tpu.region"() ({
      %run_scoped3A = tpu.sem_alloc : memref<!tpu.dma_semaphore, #tpu.memory_space<semaphore_mem>>
      %dma_start3A_33 = tpu.memref_slice %arg2[%mul3A_2] : memref<16384xi32, #tpu.memory_space<hbm>> -> memref<512xi32, #tpu.memory_space<hbm>>
      %dma_start3A_34 = tpu.memref_slice %arg2[%mul3A_2] : memref<16384xi32, #tpu.memory_space<hbm>> -> memref<512xi32, #tpu.memory_space<hbm>>
      tpu.enqueue_dma source(%dma_start3A_34 : memref<512xi32, #tpu.memory_space<hbm>>) target(%arg13 : memref<512xi32, #tpu.memory_space<vmem>>) target_semaphore(%run_scoped3A : memref<!tpu.dma_semaphore, #tpu.memory_space<semaphore_mem>>)
      %dma_wait3A_35 = tpu.memref_slice %arg2[%mul3A_2] : memref<16384xi32, #tpu.memory_space<hbm>> -> memref<512xi32, #tpu.memory_space<hbm>>
      %dma_wait3A_36 = tpu.memref_slice %arg2[%mul3A_2] : memref<16384xi32, #tpu.memory_space<hbm>> -> memref<512xi32, #tpu.memory_space<hbm>>
      tpu.wait_dma2 semaphore(%run_scoped3A : memref<!tpu.dma_semaphore, #tpu.memory_space<semaphore_mem>>) src(%dma_wait3A_36 : memref<512xi32, #tpu.memory_space<hbm>>) dst(%arg13 : memref<512xi32, #tpu.memory_space<vmem>>)
      tpu.yield
    }) : () -> ()
    "tpu.region"() ({
      %run_scoped3A = tpu.sem_alloc : memref<!tpu.dma_semaphore, #tpu.memory_space<semaphore_mem>>
      %dma_start3A_33 = tpu.memref_slice %arg3[%mul3A_2] : memref<16384xi32, #tpu.memory_space<hbm>> -> memref<512xi32, #tpu.memory_space<hbm>>
      %dma_start3A_34 = tpu.memref_slice %arg3[%mul3A_2] : memref<16384xi32, #tpu.memory_space<hbm>> -> memref<512xi32, #tpu.memory_space<hbm>>
      tpu.enqueue_dma source(%dma_start3A_34 : memref<512xi32, #tpu.memory_space<hbm>>) target(%arg14 : memref<512xi32, #tpu.memory_space<vmem>>) target_semaphore(%run_scoped3A : memref<!tpu.dma_semaphore, #tpu.memory_space<semaphore_mem>>)
      %dma_wait3A_35 = tpu.memref_slice %arg3[%mul3A_2] : memref<16384xi32, #tpu.memory_space<hbm>> -> memref<512xi32, #tpu.memory_space<hbm>>
      %dma_wait3A_36 = tpu.memref_slice %arg3[%mul3A_2] : memref<16384xi32, #tpu.memory_space<hbm>> -> memref<512xi32, #tpu.memory_space<hbm>>
      tpu.wait_dma2 semaphore(%run_scoped3A : memref<!tpu.dma_semaphore, #tpu.memory_space<semaphore_mem>>) src(%dma_wait3A_36 : memref<512xi32, #tpu.memory_space<hbm>>) dst(%arg14 : memref<512xi32, #tpu.memory_space<vmem>>)
      tpu.yield
    }) : () -> ()
    %dma_start3A = arith.constant 0 : i32
    %dma_start3A_3 = arith.constant 0 : i32
    %dma_start3A_4 = tpu.memref_slice %arg7[%dma_start3A, %dma_start3A_3] : memref<1000001x32xf32, #tpu.memory_space<hbm>> -> memref<1000001x32xf32, #tpu.memory_space<hbm>>
    tpu.enqueue_indirect_dma source(%dma_start3A_4 : memref<1000001x32xf32, #tpu.memory_space<hbm>>) target(%arg15 : memref<512x32xf32, #tpu.memory_space<vmem>>) offsets(%arg13 : memref<512xi32, #tpu.memory_space<vmem>>) semaphore(%arg25 : memref<!tpu.dma_semaphore, #tpu.memory_space<semaphore_mem>>)
    %dma_start3A_5 = arith.constant 0 : i32
    %dma_start3A_6 = arith.constant 0 : i32
    %dma_start3A_7 = tpu.memref_slice %arg8[%dma_start3A_5, %dma_start3A_6] : memref<1000001x32xf32, #tpu.memory_space<hbm>> -> memref<1000001x32xf32, #tpu.memory_space<hbm>>
    tpu.enqueue_indirect_dma source(%dma_start3A_7 : memref<1000001x32xf32, #tpu.memory_space<hbm>>) target(%arg16 : memref<512x32xf32, #tpu.memory_space<vmem>>) offsets(%arg14 : memref<512xi32, #tpu.memory_space<vmem>>) semaphore(%arg26 : memref<!tpu.dma_semaphore, #tpu.memory_space<semaphore_mem>>)
    %dma_start3A_8 = arith.constant 0 : i32
    %dma_start3A_9 = tpu.memref_slice %arg4[%dma_start3A_8] : memref<1000001xf32, #tpu.memory_space<hbm>> -> memref<1000001xf32, #tpu.memory_space<hbm>>
    tpu.enqueue_indirect_dma source(%dma_start3A_9 : memref<1000001xf32, #tpu.memory_space<hbm>>) target(%arg17 : memref<512xf32, #tpu.memory_space<vmem>>) offsets(%arg13 : memref<512xi32, #tpu.memory_space<vmem>>) semaphore(%arg27 : memref<!tpu.dma_semaphore, #tpu.memory_space<semaphore_mem>>)
    %dma_start3A_10 = arith.constant 0 : i32
    %dma_start3A_11 = tpu.memref_slice %arg5[%dma_start3A_10] : memref<1000001xf32, #tpu.memory_space<hbm>> -> memref<1000001xf32, #tpu.memory_space<hbm>>
    tpu.enqueue_indirect_dma source(%dma_start3A_11 : memref<1000001xf32, #tpu.memory_space<hbm>>) target(%arg18 : memref<512xf32, #tpu.memory_space<vmem>>) offsets(%arg14 : memref<512xi32, #tpu.memory_space<vmem>>) semaphore(%arg28 : memref<!tpu.dma_semaphore, #tpu.memory_space<semaphore_mem>>)
    %dma_wait3A = arith.constant 0 : i32
    %dma_wait3A_12 = arith.constant 0 : i32
    %dma_wait3A_13 = tpu.memref_slice %arg7[%dma_wait3A, %dma_wait3A_12] : memref<1000001x32xf32, #tpu.memory_space<hbm>> -> memref<1000001x32xf32, #tpu.memory_space<hbm>>
    tpu.wait_indirect_dma semaphore(%arg25 : memref<!tpu.dma_semaphore, #tpu.memory_space<semaphore_mem>>) src(%dma_wait3A_13 : memref<1000001x32xf32, #tpu.memory_space<hbm>>) dst(%arg15 : memref<512x32xf32, #tpu.memory_space<vmem>>)
    %dma_wait3A_14 = arith.constant 0 : i32
    %dma_wait3A_15 = arith.constant 0 : i32
    %dma_wait3A_16 = tpu.memref_slice %arg8[%dma_wait3A_14, %dma_wait3A_15] : memref<1000001x32xf32, #tpu.memory_space<hbm>> -> memref<1000001x32xf32, #tpu.memory_space<hbm>>
    tpu.wait_indirect_dma semaphore(%arg26 : memref<!tpu.dma_semaphore, #tpu.memory_space<semaphore_mem>>) src(%dma_wait3A_16 : memref<1000001x32xf32, #tpu.memory_space<hbm>>) dst(%arg16 : memref<512x32xf32, #tpu.memory_space<vmem>>)
    %dma_wait3A_17 = arith.constant 0 : i32
    %dma_wait3A_18 = tpu.memref_slice %arg4[%dma_wait3A_17] : memref<1000001xf32, #tpu.memory_space<hbm>> -> memref<1000001xf32, #tpu.memory_space<hbm>>
    tpu.wait_indirect_dma semaphore(%arg27 : memref<!tpu.dma_semaphore, #tpu.memory_space<semaphore_mem>>) src(%dma_wait3A_18 : memref<1000001xf32, #tpu.memory_space<hbm>>) dst(%arg17 : memref<512xf32, #tpu.memory_space<vmem>>)
    %dma_wait3A_19 = arith.constant 0 : i32
    %dma_wait3A_20 = tpu.memref_slice %arg5[%dma_wait3A_19] : memref<1000001xf32, #tpu.memory_space<hbm>> -> memref<1000001xf32, #tpu.memory_space<hbm>>
    tpu.wait_indirect_dma semaphore(%arg28 : memref<!tpu.dma_semaphore, #tpu.memory_space<semaphore_mem>>) src(%dma_wait3A_20 : memref<1000001xf32, #tpu.memory_space<hbm>>) dst(%arg18 : memref<512xf32, #tpu.memory_space<vmem>>)
    %get3A = arith.constant 0 : index
    %get3A_21 = tpu.vector_load %arg19[%get3A] {strides = array<i32>} : memref<32xf32, #tpu.memory_space<vmem>>, vector<16xf32>,
    %get3A_22 = arith.constant 16 : index
    %get3A_23 = tpu.vector_load %arg19[%get3A_22] {strides = array<i32>} : memref<32xf32, #tpu.memory_space<vmem>>, vector<16xf32>,
    %get3A_24 = arith.constant 0 : index
    %get3A_25 = tpu.vector_load %arg20[%get3A_24] {strides = array<i32>} : memref<16xf32, #tpu.memory_space<vmem>>, vector<16xf32>,
    %get3A_26 = arith.constant 0 : index
    %get3A_27 = tpu.vector_load %arg21[%get3A_26] {strides = array<i32>} : memref<16xf32, #tpu.memory_space<vmem>>, vector<16xf32>,
    %add3A_28 = arith.addf %get3A_25, %get3A_27 : vector<16xf32>
    %scan3A = arith.constant 0 : i32
    %scan3A_29 = arith.constant 32 : i32
    %scan3A_30 = arith.addi %scan3A, %scan3A_29 : i32
    %scan3A_31 = arith.constant 1 : i32
    scf.for %scan3A_33 = %scan3A to %scan3A_30 step %scan3A_31  : i32 {
      %mul3A_34 = arith.constant 16 : i32
      %mul3A_35 = arith.muli %scan3A_33, %mul3A_34 : i32
      %add3A_36 = arith.constant 0 : i32
      %add3A_37 = arith.addi %add3A_36, %mul3A_35 : i32
      %add3A_38 = arith.constant 0 : i32
      %add3A_39 = arith.addi %add3A_37, %add3A_38 : i32
      %get3A_40 = arith.index_cast %add3A_39 : i32 to index
      %get3A_41 = arith.constant 0 : index
      %get3A_42 = tpu.vector_load %arg15[%get3A_40, %get3A_41] {strides = array<i32>} : memref<512x32xf32, #tpu.memory_space<vmem>>, vector<16xf32>,
      %get3A_43 = arith.index_cast %add3A_39 : i32 to index
      %get3A_44 = arith.constant 16 : index
      %get3A_45 = tpu.vector_load %arg15[%get3A_43, %get3A_44] {strides = array<i32>} : memref<512x32xf32, #tpu.memory_space<vmem>>, vector<16xf32>,
      %get3A_46 = arith.index_cast %add3A_39 : i32 to index
      %get3A_47 = arith.constant 0 : index
      %get3A_48 = tpu.vector_load %arg16[%get3A_46, %get3A_47] {strides = array<i32>} : memref<512x32xf32, #tpu.memory_space<vmem>>, vector<16xf32>,
      %get3A_49 = arith.index_cast %add3A_39 : i32 to index
      %get3A_50 = arith.constant 16 : index
      %get3A_51 = tpu.vector_load %arg16[%get3A_49, %get3A_50] {strides = array<i32>} : memref<512x32xf32, #tpu.memory_space<vmem>>, vector<16xf32>,
      %mul3A_52 = arith.mulf %get3A_42, %get3A_48 : vector<16xf32>
      %mul3A_53 = arith.mulf %mul3A_52, %get3A_21 : vector<16xf32>
      %mul3A_54 = arith.mulf %get3A_45, %get3A_51 : vector<16xf32>
      %mul3A_55 = arith.mulf %mul3A_54, %get3A_23 : vector<16xf32>
      %add3A_56 = arith.addf %mul3A_53, %mul3A_55 : vector<16xf32>
      %swap3A = arith.constant 0 : index
      %swap3A_57 = tpu.vector_load %arg23[%swap3A] {strides = array<i32>} : memref<256xf32, #tpu.memory_space<vmem>>, vector<16xf32>,
      tpu.vector_store %arg23[%swap3A], %add3A_56 {strides = array<i32>} : memref<256xf32, #tpu.memory_space<vmem>>, vector<16xf32>,
      %add3A_58 = arith.constant 1 : i32
      %add3A_59 = arith.addi %add3A_37, %add3A_58 : i32
      %get3A_60 = arith.index_cast %add3A_59 : i32 to index
      %get3A_61 = arith.constant 0 : index
      %get3A_62 = tpu.vector_load %arg15[%get3A_60, %get3A_61] {strides = array<i32>} : memref<512x32xf32, #tpu.memory_space<vmem>>, vector<16xf32>,
      %get3A_63 = arith.index_cast %add3A_59 : i32 to index
      %get3A_64 = arith.constant 16 : index
      %get3A_65 = tpu.vector_load %arg15[%get3A_63, %get3A_64] {strides = array<i32>} : memref<512x32xf32, #tpu.memory_space<vmem>>, vector<16xf32>,
      %get3A_66 = arith.index_cast %add3A_59 : i32 to index
      %get3A_67 = arith.constant 0 : index
      %get3A_68 = tpu.vector_load %arg16[%get3A_66, %get3A_67] {strides = array<i32>} : memref<512x32xf32, #tpu.memory_space<vmem>>, vector<16xf32>,
      %get3A_69 = arith.index_cast %add3A_59 : i32 to index
      %get3A_70 = arith.constant 16 : index
      %get3A_71 = tpu.vector_load %arg16[%get3A_69, %get3A_70] {strides = array<i32>} : memref<512x32xf32, #tpu.memory_space<vmem>>, vector<16xf32>,
      %mul3A_72 = arith.mulf %get3A_62, %get3A_68 : vector<16xf32>
      %mul3A_73 = arith.mulf %mul3A_72, %get3A_21 : vector<16xf32>
      %mul3A_74 = arith.mulf %get3A_65, %get3A_71 : vector<16xf32>
      %mul3A_75 = arith.mulf %mul3A_74, %get3A_23 : vector<16xf32>
      %add3A_76 = arith.addf %mul3A_73, %mul3A_75 : vector<16xf32>
      %swap3A_77 = arith.constant 16 : index
      %swap3A_78 = tpu.vector_load %arg23[%swap3A_77] {strides = array<i32>} : memref<256xf32, #tpu.memory_space<vmem>>, vector<16xf32>,
      tpu.vector_store %arg23[%swap3A_77], %add3A_76 {strides = array<i32>} : memref<256xf32, #tpu.memory_space<vmem>>, vector<16xf32>,
      %add3A_79 = arith.constant 2 : i32
      %add3A_80 = arith.addi %add3A_37, %add3A_79 : i32
      %get3A_81 = arith.index_cast %add3A_80 : i32 to index
      %get3A_82 = arith.constant 0 : index
      %get3A_83 = tpu.vector_load %arg15[%get3A_81, %get3A_82] {strides = array<i32>} : memref<512x32xf32, #tpu.memory_space<vmem>>, vector<16xf32>,
      %get3A_84 = arith.index_cast %add3A_80 : i32 to index
      %get3A_85 = arith.constant 16 : index
      %get3A_86 = tpu.vector_load %arg15[%get3A_84, %get3A_85] {strides = array<i32>} : memref<512x32xf32, #tpu.memory_space<vmem>>, vector<16xf32>,
      %get3A_87 = arith.index_cast %add3A_80 : i32 to index
      %get3A_88 = arith.constant 0 : index
      %get3A_89 = tpu.vector_load %arg16[%get3A_87, %get3A_88] {strides = array<i32>} : memref<512x32xf32, #tpu.memory_space<vmem>>, vector<16xf32>,
      %get3A_90 = arith.index_cast %add3A_80 : i32 to index
      %get3A_91 = arith.constant 16 : index
      %get3A_92 = tpu.vector_load %arg16[%get3A_90, %get3A_91] {strides = array<i32>} : memref<512x32xf32, #tpu.memory_space<vmem>>, vector<16xf32>,
      %mul3A_93 = arith.mulf %get3A_83, %get3A_89 : vector<16xf32>
      %mul3A_94 = arith.mulf %mul3A_93, %get3A_21 : vector<16xf32>
      %mul3A_95 = arith.mulf %get3A_86, %get3A_92 : vector<16xf32>
      %mul3A_96 = arith.mulf %mul3A_95, %get3A_23 : vector<16xf32>
      %add3A_97 = arith.addf %mul3A_94, %mul3A_96 : vector<16xf32>
      %swap3A_98 = arith.constant 32 : index
      %swap3A_99 = tpu.vector_load %arg23[%swap3A_98] {strides = array<i32>} : memref<256xf32, #tpu.memory_space<vmem>>, vector<16xf32>,
      tpu.vector_store %arg23[%swap3A_98], %add3A_97 {strides = array<i32>} : memref<256xf32, #tpu.memory_space<vmem>>, vector<16xf32>,
      %add3A_100 = arith.constant 3 : i32
      %add3A_101 = arith.addi %add3A_37, %add3A_100 : i32
      %get3A_102 = arith.index_cast %add3A_101 : i32 to index
      %get3A_103 = arith.constant 0 : index
      %get3A_104 = tpu.vector_load %arg15[%get3A_102, %get3A_103] {strides = array<i32>} : memref<512x32xf32, #tpu.memory_space<vmem>>, vector<16xf32>,
      %get3A_105 = arith.index_cast %add3A_101 : i32 to index
      %get3A_106 = arith.constant 16 : index
      %get3A_107 = tpu.vector_load %arg15[%get3A_105, %get3A_106] {strides = array<i32>} : memref<512x32xf32, #tpu.memory_space<vmem>>, vector<16xf32>,
      %get3A_108 = arith.index_cast %add3A_101 : i32 to index
      %get3A_109 = arith.constant 0 : index
      %get3A_110 = tpu.vector_load %arg16[%get3A_108, %get3A_109] {strides = array<i32>} : memref<512x32xf32, #tpu.memory_space<vmem>>, vector<16xf32>,
      %get3A_111 = arith.index_cast %add3A_101 : i32 to index
      %get3A_112 = arith.constant 16 : index
      %get3A_113 = tpu.vector_load %arg16[%get3A_111, %get3A_112] {strides = array<i32>} : memref<512x32xf32, #tpu.memory_space<vmem>>, vector<16xf32>,
      %mul3A_114 = arith.mulf %get3A_104, %get3A_110 : vector<16xf32>
      %mul3A_115 = arith.mulf %mul3A_114, %get3A_21 : vector<16xf32>
      %mul3A_116 = arith.mulf %get3A_107, %get3A_113 : vector<16xf32>
      %mul3A_117 = arith.mulf %mul3A_116, %get3A_23 : vector<16xf32>
      %add3A_118 = arith.addf %mul3A_115, %mul3A_117 : vector<16xf32>
      %swap3A_119 = arith.constant 48 : index
      %swap3A_120 = tpu.vector_load %arg23[%swap3A_119] {strides = array<i32>} : memref<256xf32, #tpu.memory_space<vmem>>, vector<16xf32>,
      tpu.vector_store %arg23[%swap3A_119], %add3A_118 {strides = array<i32>} : memref<256xf32, #tpu.memory_space<vmem>>, vector<16xf32>,
      %add3A_121 = arith.constant 4 : i32
      %add3A_122 = arith.addi %add3A_37, %add3A_121 : i32
      %get3A_123 = arith.index_cast %add3A_122 : i32 to index
      %get3A_124 = arith.constant 0 : index
      %get3A_125 = tpu.vector_load %arg15[%get3A_123, %get3A_124] {strides = array<i32>} : memref<512x32xf32, #tpu.memory_space<vmem>>, vector<16xf32>,
      %get3A_126 = arith.index_cast %add3A_122 : i32 to index
      %get3A_127 = arith.constant 16 : index
      %get3A_128 = tpu.vector_load %arg15[%get3A_126, %get3A_127] {strides = array<i32>} : memref<512x32xf32, #tpu.memory_space<vmem>>, vector<16xf32>,
      %get3A_129 = arith.index_cast %add3A_122 : i32 to index
      %get3A_130 = arith.constant 0 : index
      %get3A_131 = tpu.vector_load %arg16[%get3A_129, %get3A_130] {strides = array<i32>} : memref<512x32xf32, #tpu.memory_space<vmem>>, vector<16xf32>,
      %get3A_132 = arith.index_cast %add3A_122 : i32 to index
      %get3A_133 = arith.constant 16 : index
      %get3A_134 = tpu.vector_load %arg16[%get3A_132, %get3A_133] {strides = array<i32>} : memref<512x32xf32, #tpu.memory_space<vmem>>, vector<16xf32>,
      %mul3A_135 = arith.mulf %get3A_125, %get3A_131 : vector<16xf32>
      %mul3A_136 = arith.mulf %mul3A_135, %get3A_21 : vector<16xf32>
      %mul3A_137 = arith.mulf %get3A_128, %get3A_134 : vector<16xf32>
      %mul3A_138 = arith.mulf %mul3A_137, %get3A_23 : vector<16xf32>
      %add3A_139 = arith.addf %mul3A_136, %mul3A_138 : vector<16xf32>
      %swap3A_140 = arith.constant 64 : index
      %swap3A_141 = tpu.vector_load %arg23[%swap3A_140] {strides = array<i32>} : memref<256xf32, #tpu.memory_space<vmem>>, vector<16xf32>,
      tpu.vector_store %arg23[%swap3A_140], %add3A_139 {strides = array<i32>} : memref<256xf32, #tpu.memory_space<vmem>>, vector<16xf32>,
      %add3A_142 = arith.constant 5 : i32
      %add3A_143 = arith.addi %add3A_37, %add3A_142 : i32
      %get3A_144 = arith.index_cast %add3A_143 : i32 to index
      %get3A_145 = arith.constant 0 : index
      %get3A_146 = tpu.vector_load %arg15[%get3A_144, %get3A_145] {strides = array<i32>} : memref<512x32xf32, #tpu.memory_space<vmem>>, vector<16xf32>,
      %get3A_147 = arith.index_cast %add3A_143 : i32 to index
      %get3A_148 = arith.constant 16 : index
      %get3A_149 = tpu.vector_load %arg15[%get3A_147, %get3A_148] {strides = array<i32>} : memref<512x32xf32, #tpu.memory_space<vmem>>, vector<16xf32>,
      %get3A_150 = arith.index_cast %add3A_143 : i32 to index
      %get3A_151 = arith.constant 0 : index
      %get3A_152 = tpu.vector_load %arg16[%get3A_150, %get3A_151] {strides = array<i32>} : memref<512x32xf32, #tpu.memory_space<vmem>>, vector<16xf32>,
      %get3A_153 = arith.index_cast %add3A_143 : i32 to index
      %get3A_154 = arith.constant 16 : index
      %get3A_155 = tpu.vector_load %arg16[%get3A_153, %get3A_154] {strides = array<i32>} : memref<512x32xf32, #tpu.memory_space<vmem>>, vector<16xf32>,
      %mul3A_156 = arith.mulf %get3A_146, %get3A_152 : vector<16xf32>
      %mul3A_157 = arith.mulf %mul3A_156, %get3A_21 : vector<16xf32>
      %mul3A_158 = arith.mulf %get3A_149, %get3A_155 : vector<16xf32>
      %mul3A_159 = arith.mulf %mul3A_158, %get3A_23 : vector<16xf32>
      %add3A_160 = arith.addf %mul3A_157, %mul3A_159 : vector<16xf32>
      %swap3A_161 = arith.constant 80 : index
      %swap3A_162 = tpu.vector_load %arg23[%swap3A_161] {strides = array<i32>} : memref<256xf32, #tpu.memory_space<vmem>>, vector<16xf32>,
      tpu.vector_store %arg23[%swap3A_161], %add3A_160 {strides = array<i32>} : memref<256xf32, #tpu.memory_space<vmem>>, vector<16xf32>,
      %add3A_163 = arith.constant 6 : i32
      %add3A_164 = arith.addi %add3A_37, %add3A_163 : i32
      %get3A_165 = arith.index_cast %add3A_164 : i32 to index
      %get3A_166 = arith.constant 0 : index
      %get3A_167 = tpu.vector_load %arg15[%get3A_165, %get3A_166] {strides = array<i32>} : memref<512x32xf32, #tpu.memory_space<vmem>>, vector<16xf32>,
      %get3A_168 = arith.index_cast %add3A_164 : i32 to index
      %get3A_169 = arith.constant 16 : index
      %get3A_170 = tpu.vector_load %arg15[%get3A_168, %get3A_169] {strides = array<i32>} : memref<512x32xf32, #tpu.memory_space<vmem>>, vector<16xf32>,
      %get3A_171 = arith.index_cast %add3A_164 : i32 to index
      %get3A_172 = arith.constant 0 : index
      %get3A_173 = tpu.vector_load %arg16[%get3A_171, %get3A_172] {strides = array<i32>} : memref<512x32xf32, #tpu.memory_space<vmem>>, vector<16xf32>,
      %get3A_174 = arith.index_cast %add3A_164 : i32 to index
      %get3A_175 = arith.constant 16 : index
      %get3A_176 = tpu.vector_load %arg16[%get3A_174, %get3A_175] {strides = array<i32>} : memref<512x32xf32, #tpu.memory_space<vmem>>, vector<16xf32>,
      %mul3A_177 = arith.mulf %get3A_167, %get3A_173 : vector<16xf32>
      %mul3A_178 = arith.mulf %mul3A_177, %get3A_21 : vector<16xf32>
      %mul3A_179 = arith.mulf %get3A_170, %get3A_176 : vector<16xf32>
      %mul3A_180 = arith.mulf %mul3A_179, %get3A_23 : vector<16xf32>
      %add3A_181 = arith.addf %mul3A_178, %mul3A_180 : vector<16xf32>
      %swap3A_182 = arith.constant 96 : index
      %swap3A_183 = tpu.vector_load %arg23[%swap3A_182] {strides = array<i32>} : memref<256xf32, #tpu.memory_space<vmem>>, vector<16xf32>,
      tpu.vector_store %arg23[%swap3A_182], %add3A_181 {strides = array<i32>} : memref<256xf32, #tpu.memory_space<vmem>>, vector<16xf32>,
      %add3A_184 = arith.constant 7 : i32
      %add3A_185 = arith.addi %add3A_37, %add3A_184 : i32
      %get3A_186 = arith.index_cast %add3A_185 : i32 to index
      %get3A_187 = arith.constant 0 : index
      %get3A_188 = tpu.vector_load %arg15[%get3A_186, %get3A_187] {strides = array<i32>} : memref<512x32xf32, #tpu.memory_space<vmem>>, vector<16xf32>,
      %get3A_189 = arith.index_cast %add3A_185 : i32 to index
      %get3A_190 = arith.constant 16 : index
      %get3A_191 = tpu.vector_load %arg15[%get3A_189, %get3A_190] {strides = array<i32>} : memref<512x32xf32, #tpu.memory_space<vmem>>, vector<16xf32>,
      %get3A_192 = arith.index_cast %add3A_185 : i32 to index
      %get3A_193 = arith.constant 0 : index
      %get3A_194 = tpu.vector_load %arg16[%get3A_192, %get3A_193] {strides = array<i32>} : memref<512x32xf32, #tpu.memory_space<vmem>>, vector<16xf32>,
      %get3A_195 = arith.index_cast %add3A_185 : i32 to index
      %get3A_196 = arith.constant 16 : index
      %get3A_197 = tpu.vector_load %arg16[%get3A_195, %get3A_196] {strides = array<i32>} : memref<512x32xf32, #tpu.memory_space<vmem>>, vector<16xf32>,
      %mul3A_198 = arith.mulf %get3A_188, %get3A_194 : vector<16xf32>
      %mul3A_199 = arith.mulf %mul3A_198, %get3A_21 : vector<16xf32>
      %mul3A_200 = arith.mulf %get3A_191, %get3A_197 : vector<16xf32>
      %mul3A_201 = arith.mulf %mul3A_200, %get3A_23 : vector<16xf32>
      %add3A_202 = arith.addf %mul3A_199, %mul3A_201 : vector<16xf32>
      %swap3A_203 = arith.constant 112 : index
      %swap3A_204 = tpu.vector_load %arg23[%swap3A_203] {strides = array<i32>} : memref<256xf32, #tpu.memory_space<vmem>>, vector<16xf32>,
      tpu.vector_store %arg23[%swap3A_203], %add3A_202 {strides = array<i32>} : memref<256xf32, #tpu.memory_space<vmem>>, vector<16xf32>,
      %add3A_205 = arith.constant 8 : i32
      %add3A_206 = arith.addi %add3A_37, %add3A_205 : i32
      %get3A_207 = arith.index_cast %add3A_206 : i32 to index
      %get3A_208 = arith.constant 0 : index
      %get3A_209 = tpu.vector_load %arg15[%get3A_207, %get3A_208] {strides = array<i32>} : memref<512x32xf32, #tpu.memory_space<vmem>>, vector<16xf32>,
      %get3A_210 = arith.index_cast %add3A_206 : i32 to index
      %get3A_211 = arith.constant 16 : index
      %get3A_212 = tpu.vector_load %arg15[%get3A_210, %get3A_211] {strides = array<i32>} : memref<512x32xf32, #tpu.memory_space<vmem>>, vector<16xf32>,
      %get3A_213 = arith.index_cast %add3A_206 : i32 to index
      %get3A_214 = arith.constant 0 : index
      %get3A_215 = tpu.vector_load %arg16[%get3A_213, %get3A_214] {strides = array<i32>} : memref<512x32xf32, #tpu.memory_space<vmem>>, vector<16xf32>,
      %get3A_216 = arith.index_cast %add3A_206 : i32 to index
      %get3A_217 = arith.constant 16 : index
      %get3A_218 = tpu.vector_load %arg16[%get3A_216, %get3A_217] {strides = array<i32>} : memref<512x32xf32, #tpu.memory_space<vmem>>, vector<16xf32>,
      %mul3A_219 = arith.mulf %get3A_209, %get3A_215 : vector<16xf32>
      %mul3A_220 = arith.mulf %mul3A_219, %get3A_21 : vector<16xf32>
      %mul3A_221 = arith.mulf %get3A_212, %get3A_218 : vector<16xf32>
      %mul3A_222 = arith.mulf %mul3A_221, %get3A_23 : vector<16xf32>
      %add3A_223 = arith.addf %mul3A_220, %mul3A_222 : vector<16xf32>
      %swap3A_224 = arith.constant 128 : index
      %swap3A_225 = tpu.vector_load %arg23[%swap3A_224] {strides = array<i32>} : memref<256xf32, #tpu.memory_space<vmem>>, vector<16xf32>,
      tpu.vector_store %arg23[%swap3A_224], %add3A_223 {strides = array<i32>} : memref<256xf32, #tpu.memory_space<vmem>>, vector<16xf32>,
      %add3A_226 = arith.constant 9 : i32
      %add3A_227 = arith.addi %add3A_37, %add3A_226 : i32
      %get3A_228 = arith.index_cast %add3A_227 : i32 to index
      %get3A_229 = arith.constant 0 : index
      %get3A_230 = tpu.vector_load %arg15[%get3A_228, %get3A_229] {strides = array<i32>} : memref<512x32xf32, #tpu.memory_space<vmem>>, vector<16xf32>,
      %get3A_231 = arith.index_cast %add3A_227 : i32 to index
      %get3A_232 = arith.constant 16 : index
      %get3A_233 = tpu.vector_load %arg15[%get3A_231, %get3A_232] {strides = array<i32>} : memref<512x32xf32, #tpu.memory_space<vmem>>, vector<16xf32>,
      %get3A_234 = arith.index_cast %add3A_227 : i32 to index
      %get3A_235 = arith.constant 0 : index
      %get3A_236 = tpu.vector_load %arg16[%get3A_234, %get3A_235] {strides = array<i32>} : memref<512x32xf32, #tpu.memory_space<vmem>>, vector<16xf32>,
      %get3A_237 = arith.index_cast %add3A_227 : i32 to index
      %get3A_238 = arith.constant 16 : index
      %get3A_239 = tpu.vector_load %arg16[%get3A_237, %get3A_238] {strides = array<i32>} : memref<512x32xf32, #tpu.memory_space<vmem>>, vector<16xf32>,
      %mul3A_240 = arith.mulf %get3A_230, %get3A_236 : vector<16xf32>
      %mul3A_241 = arith.mulf %mul3A_240, %get3A_21 : vector<16xf32>
      %mul3A_242 = arith.mulf %get3A_233, %get3A_239 : vector<16xf32>
      %mul3A_243 = arith.mulf %mul3A_242, %get3A_23 : vector<16xf32>
      %add3A_244 = arith.addf %mul3A_241, %mul3A_243 : vector<16xf32>
      %swap3A_245 = arith.constant 144 : index
      %swap3A_246 = tpu.vector_load %arg23[%swap3A_245] {strides = array<i32>} : memref<256xf32, #tpu.memory_space<vmem>>, vector<16xf32>,
      tpu.vector_store %arg23[%swap3A_245], %add3A_244 {strides = array<i32>} : memref<256xf32, #tpu.memory_space<vmem>>, vector<16xf32>,
      %add3A_247 = arith.constant 10 : i32
      %add3A_248 = arith.addi %add3A_37, %add3A_247 : i32
      %get3A_249 = arith.index_cast %add3A_248 : i32 to index
      %get3A_250 = arith.constant 0 : index
      %get3A_251 = tpu.vector_load %arg15[%get3A_249, %get3A_250] {strides = array<i32>} : memref<512x32xf32, #tpu.memory_space<vmem>>, vector<16xf32>,
      %get3A_252 = arith.index_cast %add3A_248 : i32 to index
      %get3A_253 = arith.constant 16 : index
      %get3A_254 = tpu.vector_load %arg15[%get3A_252, %get3A_253] {strides = array<i32>} : memref<512x32xf32, #tpu.memory_space<vmem>>, vector<16xf32>,
      %get3A_255 = arith.index_cast %add3A_248 : i32 to index
      %get3A_256 = arith.constant 0 : index
      %get3A_257 = tpu.vector_load %arg16[%get3A_255, %get3A_256] {strides = array<i32>} : memref<512x32xf32, #tpu.memory_space<vmem>>, vector<16xf32>,
      %get3A_258 = arith.index_cast %add3A_248 : i32 to index
      %get3A_259 = arith.constant 16 : index
      %get3A_260 = tpu.vector_load %arg16[%get3A_258, %get3A_259] {strides = array<i32>} : memref<512x32xf32, #tpu.memory_space<vmem>>, vector<16xf32>,
      %mul3A_261 = arith.mulf %get3A_251, %get3A_257 : vector<16xf32>
      %mul3A_262 = arith.mulf %mul3A_261, %get3A_21 : vector<16xf32>
      %mul3A_263 = arith.mulf %get3A_254, %get3A_260 : vector<16xf32>
      %mul3A_264 = arith.mulf %mul3A_263, %get3A_23 : vector<16xf32>
      %add3A_265 = arith.addf %mul3A_262, %mul3A_264 : vector<16xf32>
      %swap3A_266 = arith.constant 160 : index
      %swap3A_267 = tpu.vector_load %arg23[%swap3A_266] {strides = array<i32>} : memref<256xf32, #tpu.memory_space<vmem>>, vector<16xf32>,
      tpu.vector_store %arg23[%swap3A_266], %add3A_265 {strides = array<i32>} : memref<256xf32, #tpu.memory_space<vmem>>, vector<16xf32>,
      %add3A_268 = arith.constant 11 : i32
      %add3A_269 = arith.addi %add3A_37, %add3A_268 : i32
      %get3A_270 = arith.index_cast %add3A_269 : i32 to index
      %get3A_271 = arith.constant 0 : index
      %get3A_272 = tpu.vector_load %arg15[%get3A_270, %get3A_271] {strides = array<i32>} : memref<512x32xf32, #tpu.memory_space<vmem>>, vector<16xf32>,
      %get3A_273 = arith.index_cast %add3A_269 : i32 to index
      %get3A_274 = arith.constant 16 : index
      %get3A_275 = tpu.vector_load %arg15[%get3A_273, %get3A_274] {strides = array<i32>} : memref<512x32xf32, #tpu.memory_space<vmem>>, vector<16xf32>,
      %get3A_276 = arith.index_cast %add3A_269 : i32 to index
      %get3A_277 = arith.constant 0 : index
      %get3A_278 = tpu.vector_load %arg16[%get3A_276, %get3A_277] {strides = array<i32>} : memref<512x32xf32, #tpu.memory_space<vmem>>, vector<16xf32>,
      %get3A_279 = arith.index_cast %add3A_269 : i32 to index
      %get3A_280 = arith.constant 16 : index
      %get3A_281 = tpu.vector_load %arg16[%get3A_279, %get3A_280] {strides = array<i32>} : memref<512x32xf32, #tpu.memory_space<vmem>>, vector<16xf32>,
      %mul3A_282 = arith.mulf %get3A_272, %get3A_278 : vector<16xf32>
      %mul3A_283 = arith.mulf %mul3A_282, %get3A_21 : vector<16xf32>
      %mul3A_284 = arith.mulf %get3A_275, %get3A_281 : vector<16xf32>
      %mul3A_285 = arith.mulf %mul3A_284, %get3A_23 : vector<16xf32>
      %add3A_286 = arith.addf %mul3A_283, %mul3A_285 : vector<16xf32>
      %swap3A_287 = arith.constant 176 : index
      %swap3A_288 = tpu.vector_load %arg23[%swap3A_287] {strides = array<i32>} : memref<256xf32, #tpu.memory_space<vmem>>, vector<16xf32>,
      tpu.vector_store %arg23[%swap3A_287], %add3A_286 {strides = array<i32>} : memref<256xf32, #tpu.memory_space<vmem>>, vector<16xf32>,
      %add3A_289 = arith.constant 12 : i32
      %add3A_290 = arith.addi %add3A_37, %add3A_289 : i32
      %get3A_291 = arith.index_cast %add3A_290 : i32 to index
      %get3A_292 = arith.constant 0 : index
      %get3A_293 = tpu.vector_load %arg15[%get3A_291, %get3A_292] {strides = array<i32>} : memref<512x32xf32, #tpu.memory_space<vmem>>, vector<16xf32>,
      %get3A_294 = arith.index_cast %add3A_290 : i32 to index
      %get3A_295 = arith.constant 16 : index
      %get3A_296 = tpu.vector_load %arg15[%get3A_294, %get3A_295] {strides = array<i32>} : memref<512x32xf32, #tpu.memory_space<vmem>>, vector<16xf32>,
      %get3A_297 = arith.index_cast %add3A_290 : i32 to index
      %get3A_298 = arith.constant 0 : index
      %get3A_299 = tpu.vector_load %arg16[%get3A_297, %get3A_298] {strides = array<i32>} : memref<512x32xf32, #tpu.memory_space<vmem>>, vector<16xf32>,
      %get3A_300 = arith.index_cast %add3A_290 : i32 to index
      %get3A_301 = arith.constant 16 : index
      %get3A_302 = tpu.vector_load %arg16[%get3A_300, %get3A_301] {strides = array<i32>} : memref<512x32xf32, #tpu.memory_space<vmem>>, vector<16xf32>,
      %mul3A_303 = arith.mulf %get3A_293, %get3A_299 : vector<16xf32>
      %mul3A_304 = arith.mulf %mul3A_303, %get3A_21 : vector<16xf32>
      %mul3A_305 = arith.mulf %get3A_296, %get3A_302 : vector<16xf32>
      %mul3A_306 = arith.mulf %mul3A_305, %get3A_23 : vector<16xf32>
      %add3A_307 = arith.addf %mul3A_304, %mul3A_306 : vector<16xf32>
      %swap3A_308 = arith.constant 192 : index
      %swap3A_309 = tpu.vector_load %arg23[%swap3A_308] {strides = array<i32>} : memref<256xf32, #tpu.memory_space<vmem>>, vector<16xf32>,
      tpu.vector_store %arg23[%swap3A_308], %add3A_307 {strides = array<i32>} : memref<256xf32, #tpu.memory_space<vmem>>, vector<16xf32>,
      %add3A_310 = arith.constant 13 : i32
      %add3A_311 = arith.addi %add3A_37, %add3A_310 : i32
      %get3A_312 = arith.index_cast %add3A_311 : i32 to index
      %get3A_313 = arith.constant 0 : index
      %get3A_314 = tpu.vector_load %arg15[%get3A_312, %get3A_313] {strides = array<i32>} : memref<512x32xf32, #tpu.memory_space<vmem>>, vector<16xf32>,
      %get3A_315 = arith.index_cast %add3A_311 : i32 to index
      %get3A_316 = arith.constant 16 : index
      %get3A_317 = tpu.vector_load %arg15[%get3A_315, %get3A_316] {strides = array<i32>} : memref<512x32xf32, #tpu.memory_space<vmem>>, vector<16xf32>,
      %get3A_318 = arith.index_cast %add3A_311 : i32 to index
      %get3A_319 = arith.constant 0 : index
      %get3A_320 = tpu.vector_load %arg16[%get3A_318, %get3A_319] {strides = array<i32>} : memref<512x32xf32, #tpu.memory_space<vmem>>, vector<16xf32>,
      %get3A_321 = arith.index_cast %add3A_311 : i32 to index
      %get3A_322 = arith.constant 16 : index
      %get3A_323 = tpu.vector_load %arg16[%get3A_321, %get3A_322] {strides = array<i32>} : memref<512x32xf32, #tpu.memory_space<vmem>>, vector<16xf32>,
      %mul3A_324 = arith.mulf %get3A_314, %get3A_320 : vector<16xf32>
      %mul3A_325 = arith.mulf %mul3A_324, %get3A_21 : vector<16xf32>
      %mul3A_326 = arith.mulf %get3A_317, %get3A_323 : vector<16xf32>
      %mul3A_327 = arith.mulf %mul3A_326, %get3A_23 : vector<16xf32>
      %add3A_328 = arith.addf %mul3A_325, %mul3A_327 : vector<16xf32>
      %swap3A_329 = arith.constant 208 : index
      %swap3A_330 = tpu.vector_load %arg23[%swap3A_329] {strides = array<i32>} : memref<256xf32, #tpu.memory_space<vmem>>, vector<16xf32>,
      tpu.vector_store %arg23[%swap3A_329], %add3A_328 {strides = array<i32>} : memref<256xf32, #tpu.memory_space<vmem>>, vector<16xf32>,
      %add3A_331 = arith.constant 14 : i32
      %add3A_332 = arith.addi %add3A_37, %add3A_331 : i32
      %get3A_333 = arith.index_cast %add3A_332 : i32 to index
      %get3A_334 = arith.constant 0 : index
      %get3A_335 = tpu.vector_load %arg15[%get3A_333, %get3A_334] {strides = array<i32>} : memref<512x32xf32, #tpu.memory_space<vmem>>, vector<16xf32>,
      %get3A_336 = arith.index_cast %add3A_332 : i32 to index
      %get3A_337 = arith.constant 16 : index
      %get3A_338 = tpu.vector_load %arg15[%get3A_336, %get3A_337] {strides = array<i32>} : memref<512x32xf32, #tpu.memory_space<vmem>>, vector<16xf32>,
      %get3A_339 = arith.index_cast %add3A_332 : i32 to index
      %get3A_340 = arith.constant 0 : index
      %get3A_341 = tpu.vector_load %arg16[%get3A_339, %get3A_340] {strides = array<i32>} : memref<512x32xf32, #tpu.memory_space<vmem>>, vector<16xf32>,
      %get3A_342 = arith.index_cast %add3A_332 : i32 to index
      %get3A_343 = arith.constant 16 : index
      %get3A_344 = tpu.vector_load %arg16[%get3A_342, %get3A_343] {strides = array<i32>} : memref<512x32xf32, #tpu.memory_space<vmem>>, vector<16xf32>,
      %mul3A_345 = arith.mulf %get3A_335, %get3A_341 : vector<16xf32>
      %mul3A_346 = arith.mulf %mul3A_345, %get3A_21 : vector<16xf32>
      %mul3A_347 = arith.mulf %get3A_338, %get3A_344 : vector<16xf32>
      %mul3A_348 = arith.mulf %mul3A_347, %get3A_23 : vector<16xf32>
      %add3A_349 = arith.addf %mul3A_346, %mul3A_348 : vector<16xf32>
      %swap3A_350 = arith.constant 224 : index
      %swap3A_351 = tpu.vector_load %arg23[%swap3A_350] {strides = array<i32>} : memref<256xf32, #tpu.memory_space<vmem>>, vector<16xf32>,
      tpu.vector_store %arg23[%swap3A_350], %add3A_349 {strides = array<i32>} : memref<256xf32, #tpu.memory_space<vmem>>, vector<16xf32>,
      %add3A_352 = arith.constant 15 : i32
      %add3A_353 = arith.addi %add3A_37, %add3A_352 : i32
      %get3A_354 = arith.index_cast %add3A_353 : i32 to index
      %get3A_355 = arith.constant 0 : index
      %get3A_356 = tpu.vector_load %arg15[%get3A_354, %get3A_355] {strides = array<i32>} : memref<512x32xf32, #tpu.memory_space<vmem>>, vector<16xf32>,
      %get3A_357 = arith.index_cast %add3A_353 : i32 to index
      %get3A_358 = arith.constant 16 : index
      %get3A_359 = tpu.vector_load %arg15[%get3A_357, %get3A_358] {strides = array<i32>} : memref<512x32xf32, #tpu.memory_space<vmem>>, vector<16xf32>,
      %get3A_360 = arith.index_cast %add3A_353 : i32 to index
      %get3A_361 = arith.constant 0 : index
      %get3A_362 = tpu.vector_load %arg16[%get3A_360, %get3A_361] {strides = array<i32>} : memref<512x32xf32, #tpu.memory_space<vmem>>, vector<16xf32>,
      %get3A_363 = arith.index_cast %add3A_353 : i32 to index
      %get3A_364 = arith.constant 16 : index
      %get3A_365 = tpu.vector_load %arg16[%get3A_363, %get3A_364] {strides = array<i32>} : memref<512x32xf32, #tpu.memory_space<vmem>>, vector<16xf32>,
      %mul3A_366 = arith.mulf %get3A_356, %get3A_362 : vector<16xf32>
      %mul3A_367 = arith.mulf %mul3A_366, %get3A_21 : vector<16xf32>
      %mul3A_368 = arith.mulf %get3A_359, %get3A_365 : vector<16xf32>
      %mul3A_369 = arith.mulf %mul3A_368, %get3A_23 : vector<16xf32>
      %add3A_370 = arith.addf %mul3A_367, %mul3A_369 : vector<16xf32>
      %swap3A_371 = arith.constant 240 : index
      %swap3A_372 = tpu.vector_load %arg23[%swap3A_371] {strides = array<i32>} : memref<256xf32, #tpu.memory_space<vmem>>, vector<16xf32>,
      tpu.vector_store %arg23[%swap3A_371], %add3A_370 {strides = array<i32>} : memref<256xf32, #tpu.memory_space<vmem>>, vector<16xf32>,
      %get3A_373 = arith.index_cast %add3A_37 : i32 to index
      %get3A_374 = tpu.vector_load %arg17[%get3A_373] {strides = array<i32>} : memref<512xf32, #tpu.memory_space<vmem>>, vector<16xf32>,
      %get3A_375 = arith.index_cast %add3A_37 : i32 to index
      %get3A_376 = tpu.vector_load %arg18[%get3A_375] {strides = array<i32>} : memref<512xf32, #tpu.memory_space<vmem>>, vector<16xf32>,
      %add3A_377 = arith.addf %get3A_374, %get3A_376 : vector<16xf32>
      %add3A_378 = arith.addf %add3A_377, %add3A_28 : vector<16xf32>
      %get3A_379 = arith.constant 0 : i32
      %get3A_380 = arith.index_cast %get3A_379 : i32 to index
      %get3A_381 = arith.constant 0 : index
      %get3A_382 = tpu.vector_load %arg22[%get3A_380, %get3A_381] {strides = array<i32>} : memref<16x16xi32, #tpu.memory_space<vmem>>, vector<16xi32>,
      %gather3A = tpu.vector_load_idx %arg23[%get3A_382] : memref<256xf32, #tpu.memory_space<vmem>>[vector<16xi32>], vector<16xf32>,
      %add3A_383 = arith.addf %add3A_378, %gather3A : vector<16xf32>
      %get3A_384 = arith.constant 1 : i32
      %get3A_385 = arith.index_cast %get3A_384 : i32 to index
      %get3A_386 = arith.constant 0 : index
      %get3A_387 = tpu.vector_load %arg22[%get3A_385, %get3A_386] {strides = array<i32>} : memref<16x16xi32, #tpu.memory_space<vmem>>, vector<16xi32>,
      %gather3A_388 = tpu.vector_load_idx %arg23[%get3A_387] : memref<256xf32, #tpu.memory_space<vmem>>[vector<16xi32>], vector<16xf32>,
      %add3A_389 = arith.addf %add3A_383, %gather3A_388 : vector<16xf32>
      %get3A_390 = arith.constant 2 : i32
      %get3A_391 = arith.index_cast %get3A_390 : i32 to index
      %get3A_392 = arith.constant 0 : index
      %get3A_393 = tpu.vector_load %arg22[%get3A_391, %get3A_392] {strides = array<i32>} : memref<16x16xi32, #tpu.memory_space<vmem>>, vector<16xi32>,
      %gather3A_394 = tpu.vector_load_idx %arg23[%get3A_393] : memref<256xf32, #tpu.memory_space<vmem>>[vector<16xi32>], vector<16xf32>,
      %add3A_395 = arith.addf %add3A_389, %gather3A_394 : vector<16xf32>
      %get3A_396 = arith.constant 3 : i32
      %get3A_397 = arith.index_cast %get3A_396 : i32 to index
      %get3A_398 = arith.constant 0 : index
      %get3A_399 = tpu.vector_load %arg22[%get3A_397, %get3A_398] {strides = array<i32>} : memref<16x16xi32, #tpu.memory_space<vmem>>, vector<16xi32>,
      %gather3A_400 = tpu.vector_load_idx %arg23[%get3A_399] : memref<256xf32, #tpu.memory_space<vmem>>[vector<16xi32>], vector<16xf32>,
      %add3A_401 = arith.addf %add3A_395, %gather3A_400 : vector<16xf32>
      %get3A_402 = arith.constant 4 : i32
      %get3A_403 = arith.index_cast %get3A_402 : i32 to index
      %get3A_404 = arith.constant 0 : index
      %get3A_405 = tpu.vector_load %arg22[%get3A_403, %get3A_404] {strides = array<i32>} : memref<16x16xi32, #tpu.memory_space<vmem>>, vector<16xi32>,
      %gather3A_406 = tpu.vector_load_idx %arg23[%get3A_405] : memref<256xf32, #tpu.memory_space<vmem>>[vector<16xi32>], vector<16xf32>,
      %add3A_407 = arith.addf %add3A_401, %gather3A_406 : vector<16xf32>
      %get3A_408 = arith.constant 5 : i32
      %get3A_409 = arith.index_cast %get3A_408 : i32 to index
      %get3A_410 = arith.constant 0 : index
      %get3A_411 = tpu.vector_load %arg22[%get3A_409, %get3A_410] {strides = array<i32>} : memref<16x16xi32, #tpu.memory_space<vmem>>, vector<16xi32>,
      %gather3A_412 = tpu.vector_load_idx %arg23[%get3A_411] : memref<256xf32, #tpu.memory_space<vmem>>[vector<16xi32>], vector<16xf32>,
      %add3A_413 = arith.addf %add3A_407, %gather3A_412 : vector<16xf32>
      %get3A_414 = arith.constant 6 : i32
      %get3A_415 = arith.index_cast %get3A_414 : i32 to index
      %get3A_416 = arith.constant 0 : index
      %get3A_417 = tpu.vector_load %arg22[%get3A_415, %get3A_416] {strides = array<i32>} : memref<16x16xi32, #tpu.memory_space<vmem>>, vector<16xi32>,
      %gather3A_418 = tpu.vector_load_idx %arg23[%get3A_417] : memref<256xf32, #tpu.memory_space<vmem>>[vector<16xi32>], vector<16xf32>,
      %add3A_419 = arith.addf %add3A_413, %gather3A_418 : vector<16xf32>
      %get3A_420 = arith.constant 7 : i32
      %get3A_421 = arith.index_cast %get3A_420 : i32 to index
      %get3A_422 = arith.constant 0 : index
      %get3A_423 = tpu.vector_load %arg22[%get3A_421, %get3A_422] {strides = array<i32>} : memref<16x16xi32, #tpu.memory_space<vmem>>, vector<16xi32>,
      %gather3A_424 = tpu.vector_load_idx %arg23[%get3A_423] : memref<256xf32, #tpu.memory_space<vmem>>[vector<16xi32>], vector<16xf32>,
      %add3A_425 = arith.addf %add3A_419, %gather3A_424 : vector<16xf32>
      %get3A_426 = arith.constant 8 : i32
      %get3A_427 = arith.index_cast %get3A_426 : i32 to index
      %get3A_428 = arith.constant 0 : index
      %get3A_429 = tpu.vector_load %arg22[%get3A_427, %get3A_428] {strides = array<i32>} : memref<16x16xi32, #tpu.memory_space<vmem>>, vector<16xi32>,
      %gather3A_430 = tpu.vector_load_idx %arg23[%get3A_429] : memref<256xf32, #tpu.memory_space<vmem>>[vector<16xi32>], vector<16xf32>,
      %add3A_431 = arith.addf %add3A_425, %gather3A_430 : vector<16xf32>
      %get3A_432 = arith.constant 9 : i32
      %get3A_433 = arith.index_cast %get3A_432 : i32 to index
      %get3A_434 = arith.constant 0 : index
      %get3A_435 = tpu.vector_load %arg22[%get3A_433, %get3A_434] {strides = array<i32>} : memref<16x16xi32, #tpu.memory_space<vmem>>, vector<16xi32>,
      %gather3A_436 = tpu.vector_load_idx %arg23[%get3A_435] : memref<256xf32, #tpu.memory_space<vmem>>[vector<16xi32>], vector<16xf32>,
      %add3A_437 = arith.addf %add3A_431, %gather3A_436 : vector<16xf32>
      %get3A_438 = arith.constant 10 : i32
      %get3A_439 = arith.index_cast %get3A_438 : i32 to index
      %get3A_440 = arith.constant 0 : index
      %get3A_441 = tpu.vector_load %arg22[%get3A_439, %get3A_440] {strides = array<i32>} : memref<16x16xi32, #tpu.memory_space<vmem>>, vector<16xi32>,
      %gather3A_442 = tpu.vector_load_idx %arg23[%get3A_441] : memref<256xf32, #tpu.memory_space<vmem>>[vector<16xi32>], vector<16xf32>,
      %add3A_443 = arith.addf %add3A_437, %gather3A_442 : vector<16xf32>
      %get3A_444 = arith.constant 11 : i32
      %get3A_445 = arith.index_cast %get3A_444 : i32 to index
      %get3A_446 = arith.constant 0 : index
      %get3A_447 = tpu.vector_load %arg22[%get3A_445, %get3A_446] {strides = array<i32>} : memref<16x16xi32, #tpu.memory_space<vmem>>, vector<16xi32>,
      %gather3A_448 = tpu.vector_load_idx %arg23[%get3A_447] : memref<256xf32, #tpu.memory_space<vmem>>[vector<16xi32>], vector<16xf32>,
      %add3A_449 = arith.addf %add3A_443, %gather3A_448 : vector<16xf32>
      %get3A_450 = arith.constant 12 : i32
      %get3A_451 = arith.index_cast %get3A_450 : i32 to index
      %get3A_452 = arith.constant 0 : index
      %get3A_453 = tpu.vector_load %arg22[%get3A_451, %get3A_452] {strides = array<i32>} : memref<16x16xi32, #tpu.memory_space<vmem>>, vector<16xi32>,
      %gather3A_454 = tpu.vector_load_idx %arg23[%get3A_453] : memref<256xf32, #tpu.memory_space<vmem>>[vector<16xi32>], vector<16xf32>,
      %add3A_455 = arith.addf %add3A_449, %gather3A_454 : vector<16xf32>
      %get3A_456 = arith.constant 13 : i32
      %get3A_457 = arith.index_cast %get3A_456 : i32 to index
      %get3A_458 = arith.constant 0 : index
      %get3A_459 = tpu.vector_load %arg22[%get3A_457, %get3A_458] {strides = array<i32>} : memref<16x16xi32, #tpu.memory_space<vmem>>, vector<16xi32>,
      %gather3A_460 = tpu.vector_load_idx %arg23[%get3A_459] : memref<256xf32, #tpu.memory_space<vmem>>[vector<16xi32>], vector<16xf32>,
      %add3A_461 = arith.addf %add3A_455, %gather3A_460 : vector<16xf32>
      %get3A_462 = arith.constant 14 : i32
      %get3A_463 = arith.index_cast %get3A_462 : i32 to index
      %get3A_464 = arith.constant 0 : index
      %get3A_465 = tpu.vector_load %arg22[%get3A_463, %get3A_464] {strides = array<i32>} : memref<16x16xi32, #tpu.memory_space<vmem>>, vector<16xi32>,
      %gather3A_466 = tpu.vector_load_idx %arg23[%get3A_465] : memref<256xf32, #tpu.memory_space<vmem>>[vector<16xi32>], vector<16xf32>,
      %add3A_467 = arith.addf %add3A_461, %gather3A_466 : vector<16xf32>
      %get3A_468 = arith.constant 15 : i32
      %get3A_469 = arith.index_cast %get3A_468 : i32 to index
      %get3A_470 = arith.constant 0 : index
      %get3A_471 = tpu.vector_load %arg22[%get3A_469, %get3A_470] {strides = array<i32>} : memref<16x16xi32, #tpu.memory_space<vmem>>, vector<16xi32>,
      %gather3A_472 = tpu.vector_load_idx %arg23[%get3A_471] : memref<256xf32, #tpu.memory_space<vmem>>[vector<16xi32>], vector<16xf32>,
      %add3A_473 = arith.addf %add3A_467, %gather3A_472 : vector<16xf32>
      %swap3A_474 = arith.index_cast %add3A_37 : i32 to index
      %swap3A_475 = tpu.vector_load %arg24[%swap3A_474] {strides = array<i32>} : memref<512xf32, #tpu.memory_space<vmem>>, vector<16xf32>,
      tpu.vector_store %arg24[%swap3A_474], %add3A_473 {strides = array<i32>} : memref<512xf32, #tpu.memory_space<vmem>>, vector<16xf32>,
    }
    %scan3A_32 = arith.constant 32 : i32
    "tpu.region"() ({
      %run_scoped3A = tpu.sem_alloc : memref<!tpu.dma_semaphore, #tpu.memory_space<semaphore_mem>>
      %dma_start3A_33 = tpu.memref_slice %arg12[%mul3A_2] : memref<16384xf32, #tpu.memory_space<hbm>> -> memref<512xf32, #tpu.memory_space<hbm>>
      %dma_start3A_34 = tpu.memref_slice %arg12[%mul3A_2] : memref<16384xf32, #tpu.memory_space<hbm>> -> memref<512xf32, #tpu.memory_space<hbm>>
      tpu.enqueue_dma source(%arg24 : memref<512xf32, #tpu.memory_space<vmem>>) target(%dma_start3A_34 : memref<512xf32, #tpu.memory_space<hbm>>) target_semaphore(%run_scoped3A : memref<!tpu.dma_semaphore, #tpu.memory_space<semaphore_mem>>)
      %dma_wait3A_35 = tpu.memref_slice %arg12[%mul3A_2] : memref<16384xf32, #tpu.memory_space<hbm>> -> memref<512xf32, #tpu.memory_space<hbm>>
      %dma_wait3A_36 = tpu.memref_slice %arg12[%mul3A_2] : memref<16384xf32, #tpu.memory_space<hbm>> -> memref<512xf32, #tpu.memory_space<hbm>>
      tpu.wait_dma2 semaphore(%run_scoped3A : memref<!tpu.dma_semaphore, #tpu.memory_space<semaphore_mem>>) src(%arg24 : memref<512xf32, #tpu.memory_space<vmem>>) dst(%dma_wait3A_36 : memref<512xf32, #tpu.memory_space<hbm>>)
      tpu.yield
    }) : () -> ()
    return
  }
}

</mosaic_0001>

<sc_bundles>
// kernel: kernel.3.cloned.1.call-start
scs
__scs_entry_jumppad:
0x0: {  	(pc) =	sbr.rel $0x88, $3  }
0x1: {  	(tag) =	ssettag $0x0;
	lr =	simm.s32 $0x1  }
0x2: {  	[smem:$0x3F98] =	sst lr;
	_ =	strace $0xD0000000  }
0x3: {  	_ = 	snop  }
0x4: {  	_ = 	snop  }
0x5: {  	_ = 	snop  }
0x6: {  	_ = 	snop  }
0x7: {  	_ = 	snop  }
__scs_overlays_trampoline_lowered:
0x8: {  	[smem:$0x3FA7] =	sst s0  }
0x9: {  	[smem:$0x3FA8] =	sst s1  }
0xa: {  	[smem:$0x3FA9] =	sst s2  }
0xb: {  	[smem:$0x3FAA] =	sst s3  }
0xc: {  	[smem:$0x3FAB] =	sst s4  }
0xd: {  	[smem:$0x3FAC] =	sst s5  }
0xe: {  	[smem:$0x3FAD] =	sst s6  }
0xf: {  	[smem:$0x3FAE] =	sst s7  }
0x10: {  	[smem:$0x3FAF] =	sst s8  }
0x11: {  	[smem:$0x3FB0] =	sst s9;
	s0 =	simm.s32 @!p0 $0x0  }
0x12: {  	s1 =	sld [smem:$0x3F96];
	s0 =	simm.s32 @p0 $0x1  }
0x13: {  	[smem:$0x3FB1] =	sst s0;
	s0 =	simm.s32 @!p1 $0x0  }
0x14: {  	s2 =	sld [smem:$0x3F95];
	s0 =	simm.s32 @p1 $0x1  }
0x15: {  	[smem:$0x3FB2] =	sst s0;
	s0 =	simm.s32 @!p2 $0x0  }
0x16: {  	s3 =	sld [smem:$0x3FDB];
	s0 =	simm.s32 @p2 $0x1  }
0x17: {  	s4 =	simm.s32 $0x1BF5;
	[smem:$0x3FB4] =	sst s0  }
0x18: {  	s0 =	sld [smem:$0x3F97];
	_ =	swait.ge [sflag:s4], $0x0  }
0x19: {  	s7 =	sld [smem:$0x3F98]  }
0x1a: {  	s8 =	sadd.s32 $0xFFFFE003, lr  }
0x1b: {  	s9 =	sadd.s32 $0xFFFFFEF7, lr;
	s5 =	simm.s32 $0xFFFFFFFF;
	p2 =	slt.u32 s8, $0xFFFFF086  }
0x1c: {  	p1 =	slt.u32 s9, $0xF7A;
	s5 =	simm.s32 @!p2 $0x0  }
0x1d: {  	s5 =	simm.s32 @p1 $0x1;
	p0 =	seq.s32 s7, s2  }
0x1e: {  	s7 =	smul.u32 @!p0 $0xF7A, s2;
	p2 =	seq.s32 @!p0 s5, $0x0  }
0x1f: {  	s9 =	smul.u32 $0xF7A, s1;
	s8 =	simm.s32 @!p0 $0x1BF5;
	p2 =	por !p2, p0  }
0x20: {  	[sflag:s8] =	ssyncset.s32 @!p0 $0xFFFFF086;
	s6 =	sadd.s32 @!p0 s3, s7;
	s7 =	simm.s32 @!p0 $0x108  }
0x21: {  	s3 =	sadd.s32 s3, s9;
	s6 =	sadd.s32 @!p0 $0x88, s6;
	s7 =	simm.s32 @p2 $0x1082  }
0x22: {  	[simem:s7], [sflag:s8] =	dma.local @!p0 [hbm:s6], $0xF7A  }
0x23: {  	s9 =	sor.u32 $0xD0000000, s2;
	s6 =	simm.s32 $0x108;
	_ =	swait.ge @!p0 [sflag:s8], $0x0  }
0x24: {  	s3 =	sadd.s32 $0x88, s3;
	s6 =	simm.s32 @!p1 $0x1082;
	[sflag:s4] =	ssyncset.s32 $0xFFFFF086  }
0x25: {  	[simem:s6], [sflag:s4] =	dma.local [hbm:s3], $0xF7A  }
0x26: {  	[smem:$0x3F98] =	sst s1;
	(tag) =	ssettag s2;
	_ =	strace s9  }
0x27: {  	s1 =	sld [smem:$0x3FA8]  }
0x28: {  	s2 =	sld [smem:$0x3FA9]  }
0x29: {  	s4 =	sld [smem:$0x3FAB]  }
0x2a: {  	p0 =	seq.s32 s5, $0x0;
	s5 =	sld [smem:$0x3FAC]  }
0x2b: {  	s6 =	sld [smem:$0x3FAD]  }
0x2c: {  	s7 =	sld [smem:$0x3FAE]  }
0x2d: {  	s3 =	simm.s32 $0x108;
	s8 =	sld [smem:$0x3FAF]  }
0x2e: {  	s3 =	simm.s32 @!p0 $0x1082;
	s9 =	sld [smem:$0x3FB0]  }
0x2f: {  	lr =	sadd.s32 s0, s3;
	s0 =	sld [smem:$0x3FA7]  }
0x30: {  	s3 =	sld [smem:$0x3FAA]  }
0x31: {  	[smem:$0x3FB3] =	sst s10  }
0x32: {  	s10 =	sld [smem:$0x3FB1];
	_ =	sdelay $0x3  }
0x33: {  	p0 =	seq.s32 s10, $0x1;
	s10 =	sld [smem:$0x3FB3];
	_ =	sdelay $0x3  }
0x34: {  	[smem:$0x3FB3] =	sst s10  }
0x35: {  	s10 =	sld [smem:$0x3FB2];
	_ =	sdelay $0x3  }
0x36: {  	p1 =	seq.s32 s10, $0x1;
	s10 =	sld [smem:$0x3FB3];
	_ =	sdelay $0x3  }
0x37: {  	[smem:$0x3FB3] =	sst s10  }
0x38: {  	s10 =	sld [smem:$0x3FB4]  }
0x39: {  	_ = 	snop;
	(pc) =	sbr.ind lr, $3  }
0x3a: {  	_ = 	snop  }
0x3b: {  	_ = 	snop  }
0x3c: {  	p2 =	seq.s32 s10, $0x1;
	s10 =	sld [smem:$0x3FB3]  }
0x3d: {  	_ =	shalt  }
0x3e: {  	_ =	shalt  }
0x3f: {  	_ =	shalt  }
0x40: {  	_ =	shalt  }
0x41: {  	_ =	shalt  }
0x42: {  	_ =	shalt  }
0x43: {  	_ =	shalt  }
0x44: {  	_ =	shalt  }
0x45: {  	_ =	shalt  }
0x46: {  	_ =	shalt  }
0x47: {  	_ =	shalt  }
0x48: {  	_ =	shalt  }
0x49: {  	_ =	shalt  }
0x4a: {  	_ =	shalt  }
0x4b: {  	_ =	shalt  }
0x4c: {  	_ =	shalt  }
0x4d: {  	_ =	shalt  }
0x4e: {  	_ =	shalt  }
0x4f: {  	_ =	shalt  }
0x50: {  	_ =	shalt  }
0x51: {  	_ =	shalt  }
0x52: {  	_ =	shalt  }
0x53: {  	_ =	shalt  }
0x54: {  	_ =	shalt  }
0x55: {  	_ =	shalt  }
0x56: {  	_ =	shalt  }
0x57: {  	_ =	shalt  }
0x58: {  	_ =	shalt  }
0x59: {  	_ =	shalt  }
0x5a: {  	_ =	shalt  }
0x5b: {  	_ =	shalt  }
0x5c: {  	_ =	shalt  }
0x5d: {  	_ =	shalt  }
0x5e: {  	_ =	shalt  }
0x5f: {  	_ =	shalt  }
0x60: {  	_ =	shalt  }
0x61: {  	_ =	shalt  }
0x62: {  	_ =	shalt  }
0x63: {  	_ =	shalt  }
0x64: {  	_ =	shalt  }
0x65: {  	_ =	shalt  }
0x66: {  	_ =	shalt  }
0x67: {  	_ =	shalt  }
0x68: {  	_ =	shalt  }
0x69: {  	_ =	shalt  }
0x6a: {  	_ =	shalt  }
0x6b: {  	_ =	shalt  }
0x6c: {  	_ =	shalt  }
0x6d: {  	_ =	shalt  }
0x6e: {  	_ =	shalt  }
0x6f: {  	_ =	shalt  }
0x70: {  	_ =	shalt  }
0x71: {  	_ =	shalt  }
0x72: {  	_ =	shalt  }
0x73: {  	_ =	shalt  }
0x74: {  	_ =	shalt  }
0x75: {  	_ =	shalt  }
0x76: {  	_ =	shalt  }
0x77: {  	_ =	shalt  }
0x78: {  	_ =	shalt  }
0x79: {  	_ =	shalt  }
0x7a: {  	_ =	shalt  }
0x7b: {  	_ =	shalt  }
0x7c: {  	_ =	shalt  }
0x7d: {  	_ =	shalt  }
0x7e: {  	_ =	shalt  }
0x7f: {  	_ =	shalt  }
0x80: {  	_ =	shalt  }
0x81: {  	_ =	shalt  }
0x82: {  	_ =	shalt  }
0x83: {  	_ =	shalt  }
0x84: {  	_ =	shalt  }
0x85: {  	_ =	shalt  }
0x86: {  	_ =	shalt  }
0x87: {  	_ =	shalt  }
.Lfunc_end0:
.L_simem_size_0:
called_computation_lowered:
.L_overlay_start_0:
0x88: {  	s2 =	sld [smem:$0x3FD9]  }
0x89: {  	s3 =	sld [smem:$0x3FFE];
	_ =	sdelay $0x1  }
0x8a: {  	s1 =	srdreg.scid  }
0x8b: {  	s0 =	sand.u32 $0x1, s1  }
0x8c: {  	s17 =	sshll.u32 s0, $0xA;
	s2 =	sadd.s32 s3, s2  }
0x8d: {  	s2 =	sadd.s32 s2, s17  }
0x8e: {  	[smem:$0x3FBF] =	sst s2  }
0x8f: {  	_ = 	snop  }
0x90: {  	s2 =	sld [smem:$0x3FC9]  }
0x91: {  	s18 =	sld [smem:$0x3FC8]  }
0x92: {  	s4 =	sld [smem:$0x3FC7]  }
0x93: {  	s5 =	sld [smem:$0x3FC6]  }
0x94: {  	s6 =	sld [smem:$0x3FC2]  }
0x95: {  	s7 =	sld [smem:$0x3FD0];
	(tm) =	ssettm $0x1  }
0x96: {  	s8 =	sld [smem:$0x3FFB];
	_ =	sdelay $0x3  }
0x97: {  	_ =	strace s8  }
0x98: {  	s8 =	sld [smem:$0x3FFC];
	_ =	sdelay $0x3  }
0x99: {  	_ =	strace s8  }
0x9a: {  	s8 =	sld [smem:$0x3FFD];
	_ =	sdelay $0x3  }
0x9b: {  	_ =	strace s8  }
0x9c: {  	_ =	strace $0x8FFFFFFF  }
0x9d: {  	s19 =	sld [smem:$0x3FDB];
	_ =	sdelay $0x1  }
0x9e: {  	s9 =	simm.s32 $_scs_section_size  }
0x9f: {  	s10 =	simm.s32 $_size__tile_overlayer_lowered;
	s11 =	simm.s32 $_tile_overlayer_lowered  }
0xa0: {  	s22 =	simm.s32 $0x1BFF;
	s21 =	sshll.u32 s11, $0x1;
	s8 =	sadd.s32 s9, s19  }
0xa1: {  	s12 =	simm.s32 $0x0;
	s20 =	sshll.u32 s10, $0x1;
	s10 =	sadd.s32 s21, s8  }
0xa2: {  	[timem:s12], [sflag:s22] =	dma.local [hbm:s10], s20  }
0xa3: {  	_ =	swait.ge [sflag:s22], s20  }
0xa4: {  	s9 =	ssub.s32 $0x0, s20;
	[sflag:s22] =	ssyncset.done $0x0  }
0xa5: {  	[sflag:s22] =	ssyncadd.s32 s9;
	_ =	sdelay $0x1  }
0xa6: {  	s23 =	simm.s32 $0x1B8B  }
0xa7: {  	_ =	swait.ge [sflag:s23], $0x1  }
0xa8: {  	[sflag:s23] =	ssyncset.done $0x0  }
0xa9: {  	s25 =	simm.s32 $0x1B8E;
	s24 =	sld [smem:$0x3FFE];
	[sflag:s23] =	ssyncadd.s32 $0xFFFFFFFF  }
0xaa: {  	s26 =	simm.s32 $execute0_lowered;
	[smem:$0x3FD2] =	sst s25  }
0xab: {  	s10 =	sshll.u32 s26, $0x1;
	_ =	strace $0x80000046;
	[dreg:$0x1] =	wrdreg $0xFFFFFFFF  }
0xac: {  	s28 =	simm.s32 $_size_execute0_lowered;
	s8 =	sadd.s32 s8, s10;
	[dreg:$0x0] =	wrdreg $0x0  }
0xad: {  	s10 =	sshll.u32 s28, $0x1;
	[dreg:$0x2] =	wrdreg s8  }
0xae: {  	[dreg:$0x3] =	wrdreg s10  }
0xaf: {  	[dreg:$0x4] =	wrdreg $0xC0  }
0xb0: {  	_ =	task [dreg:s12], $0x5FFFF  }
0xb1: {  	[dreg:$0x1] =	wrdreg $0xFFFFFFFF  }
0xb2: {  	[dreg:$0x0] =	wrdreg $0x60  }
0xb3: {  	[dreg:$0x2] =	wrdreg s2  }
0xb4: {  	[dreg:$0x3] =	wrdreg s18  }
0xb5: {  	[dreg:$0x4] =	wrdreg s4  }
0xb6: {  	[dreg:$0x5] =	wrdreg s5  }
0xb7: {  	[dreg:$0x6] =	wrdreg s24  }
0xb8: {  	[dreg:$0x7] =	wrdreg s6  }
0xb9: {  	[dreg:$0x8] =	wrdreg s7  }
0xba: {  	[dreg:$0x9] =	wrdreg $0x9  }
0xbb: {  	_ =	task.clear_ibuf [dreg:s12], $0xAFFFF;
	_ =	strace $0x90000046  }
0xbc: {  	s29 =	simm.s32 $0x9;
	_ =	strace $0x80000048  }
0xbd: {  	_ =	swait.ge [sflag:s29], $0x1  }
0xbe: {  	[sflag:s29] =	ssyncadd.s32 $0xFFFFFFFF  }
0xbf: {  	_ =	strace $0x90000048  }
0xc0: {  	_ =	sfence  }
0xc1: {  	s30 =	sld [smem:$0x0];
	_ =	sdelay $0x2  }
0xc2: {  	s31 =	sshll.u32 s1, $0xD;
	s1 =	sshrl.u32 s1, $0x2  }
0xc3: {  	s3 =	sand.u32 $0x4000, s31;
	s1 =	sadd.s32 s1, s30  }
0xc4: {  	s0 =	sor.u32 s3, s0;
	s1 =	sshll.u32 s1, $0x11  }
0xc5: {  	s0 =	sor.u32 s1, s0  }
0xc6: {  	s0 =	sadd.s32 $0x8F2B, s0  }
0xc7: {  	[sflag:s0] =	ssyncadd.remote.s32 $0x1  }
0xc8: {  	_ =	sfence.sel $0xFFFF  }
0xc9: {  	[dreg:$0x0] =	wrdreg $0xFFFFFFFF;
	(pc) =	sbr.abs _section_cstart, $3  }
0xca: {  	[dreg:$0x1] =	wrdreg $0xFFFFFFFF  }
0xcb: {  	_ =	task.clear_ibuf [dreg:s12], $0x2FFFF;
	_ =	strace $0x9FFFFFFF  }
0xcc: {  	(tm) =	ssettm $0x7FFFFFFF  }
0xcd: {  	_ =	shalt  }
tec
execute0_lowered:
.L_overlay_start_1:
0x0: {  	(tag) =	ssettag $0x1  }
0x1: {  	s0 =	rddreg [dreg:$0x0]  }
0x2: {  	s1 =	rddreg [dreg:$0x1]  }
0x3: {  	s2 =	rddreg [dreg:$0x4]  }
0x4: {  	s3 =	rddreg [dreg:$0x6]  }
0x5: {  	s4 =	simm.s32 $0x0;
	s6 =	srdreg.scid;
	s10 =	stileid.u32  }
0x6: {  	s16 =	simm.s32 $0x5;
	s18 =	simm.s32 $0x8830;
	s19 =	simm.s32 $0x8840  }
0x7: {  	s20 =	simm.s32 $0x200;
	s21 =	simm.s32 $0x400;
	s22 =	simm.s32 $0x4400  }
0x8: {  	s23 =	simm.s32 $0x8400;
	s24 =	simm.s32 $0x8600;
	s25 =	simm.s32 $0x1  }
0x9: {  	s28 =	simm.s32 $0x3;
	s29 =	simm.s32 $0x4;
	s30 =	simm.s32 $0x8940  }
0xa: {  	s31 =	simm.s32 $0x8A40;
	[smem:$0x7FF] =	sst s4;
	s5 =	sadd.s32 $0x800, s2  }
0xb: {  	s7 =	sadd.s32 $0x1313600, s2;
	s8 =	sadd.s32 $0xF42C00, s2;
	s6 =	sand.u32 $0x1, s6  }
0xc: {  	s9 =	sadd.s32 $0xA00, s2;
	s13 =	sshll.u32 s10, $0x7;
	s11 =	ssub.s32 $0x2, s6  }
0xd: {  	s10 =	sadd.s32 $0x600, s2;
	s6 =	sshll.u32 s6, $0x6;
	s12 =	sshrl.u32 s11, $0x1  }
0xe: {  	_ =	strace $0x80000047;
	s6 =	sor.u32 s6, s13;
	s26 =	ssub.s32 s11, s12  }
0xf: {  	s11 =	sadd.s32 s0, s6;
	s12 =	sadd.s32 s1, s6;
	s13 =	sadd.s32 s3, s6  }
0x10: {  	s0 =	simm.s32 $0x0;
	s14 =	smax.u32 s26, $0x1;
	s26 =	simm.s32 $0x2  }
.LBB2_1:
0x11: {  	s1 =	rddreg [dreg:$0x5];
	s2 =	simm.s32 $0x8800  }
0x12: {  	[tilespmem:s2], [sflag:$0x5] =	stream.linear.gather [hbm4b:s1+s4], $0x20, $0x38;
	[tilespmem:$0x8C40] =	vst v63  }
0x13: {  	_ =	swait.ge [sflag:s16], $0x20  }
0x14: {  	[sflag:s16] =	ssyncset.done $0x0  }
0x15: {  	s6 =	simm.s32 $0x8820;
	[sflag:s16] =	ssyncadd.s32 $0xFFFFFFE0  }
0x16: {  	[tilespmem:s6], [sflag:$0x5] =	stream.linear.gather [hbm4b:s5+s4], $0x10, $0x38;
	[tilespmem:$0x8C40] =	vst v63  }
0x17: {  	_ =	swait.ge [sflag:s16], $0x10  }
0x18: {  	[sflag:s16] =	ssyncset.done $0x0  }
0x19: {  	[sflag:s16] =	ssyncadd.s32 $0xFFFFFFF0  }
0x1a: {  	[tilespmem:s18], [sflag:$0x5] =	stream.linear.gather [hbm4b:s9+s4], $0x10, $0x38;
	[tilespmem:$0x8C40] =	vst v63  }
0x1b: {  	_ =	swait.ge [sflag:s16], $0x10  }
0x1c: {  	[sflag:s16] =	ssyncset.done $0x0  }
0x1d: {  	[sflag:s16] =	ssyncadd.s32 $0xFFFFFFF0  }
0x1e: {  	[tilespmem:s19], [sflag:$0x5] =	stream.linear.gather [hbm4b:s10+s4], $0x100, $0x38;
	[tilespmem:$0x8C40] =	vst v63  }
0x1f: {  	_ =	swait.ge [sflag:s16], $0x100  }
0x20: {  	[sflag:s16] =	ssyncset.done $0x0  }
0x21: {  	[sflag:s16] =	ssyncadd.s32 $0xFFFFFF00  }
0x22: {  	[tilespmem:s4], [sflag:$0x5] =	stream.linear.gather [hbm4b:s11+s4], $0x200, $0x38;
	[tilespmem:$0x8C40] =	vst v63  }
0x23: {  	_ =	swait.ge [sflag:s16], $0x200  }
0x24: {  	[sflag:s16] =	ssyncset.done $0x0  }
0x25: {  	[sflag:s16] =	ssyncadd.s32 $0xFFFFFE00  }
0x26: {  	[tilespmem:s20], [sflag:$0x5] =	stream.linear.gather [hbm4b:s12+s4], $0x200, $0x38;
	[tilespmem:$0x8C40] =	vst v63  }
0x27: {  	_ =	swait.ge [sflag:s16], $0x200  }
0x28: {  	[sflag:s16] =	ssyncset.done $0x0  }
0x29: {  	[sflag:s16] =	ssyncadd.s32 $0xFFFFFE00  }
0x2a: {  	[tilespmem:s21], [sflag:$0x1] =	stream.indirect.gather [hbm4b:s7+s20], $0x20, s4, s20, $0xb8;
	[tilespmem:$0x8C40] =	vst v63  }
0x2b: {  	_ = 	snop  }
0x2c: {  	[tilespmem:s22], [sflag:$0x2] =	stream.indirect.gather [hbm4b:s8+s20], $0x20, s20, s20, $0xb8;
	[tilespmem:$0x8C40] =	vst v63  }
0x2d: {  	s15 =	rddreg [dreg:$0x2]  }
0x2e: {  	[tilespmem:s23], [sflag:$0x3] =	stream.indirect.gather [hbm4b:s15+s20], $0x1, s4, s20, $0xb8;
	[tilespmem:$0x8C40] =	vst v63  }
0x2f: {  	s17 =	rddreg [dreg:$0x3]  }
0x30: {  	[tilespmem:s24], [sflag:$0x4] =	stream.indirect.gather [hbm4b:s17+s20], $0x1, s20, s20, $0xb8;
	[tilespmem:$0x8C40] =	vst v63  }
0x31: {  	_ =	swait.ge [sflag:s25], $0x4000  }
0x32: {  	[sflag:s25] =	ssyncset.done $0x0  }
0x33: {  	[sflag:s25] =	ssyncadd.s32 $0xFFFFC000  }
0x34: {  	_ =	swait.ge [sflag:s26], $0x4000  }
0x35: {  	[sflag:s26] =	ssyncset.done $0x0  }
0x36: {  	[sflag:s26] =	ssyncadd.s32 $0xFFFFC000  }
0x37: {  	_ =	swait.ge [sflag:s28], $0x200  }
0x38: {  	[sflag:s28] =	ssyncset.done $0x0  }
0x39: {  	[sflag:s28] =	ssyncadd.s32 $0xFFFFFE00  }
0x3a: {  	_ =	swait.ge [sflag:s29], $0x200  }
0x3b: {  	[sflag:s29] =	ssyncset.done $0x0  }
0x3c: {  	s6 =	simm.s32 $0x500;
	[sflag:s29] =	ssyncadd.s32 $0xFFFFFE00  }
0x3d: {  	s1 =	simm.s32 $0x4500;
	v2 =	vld [tilespmem:s6+$0xFFFFFF00]  }
0x3e: {  	v3 =	vld [tilespmem:s1+$0xFFFFFF10]  }
0x3f: {  	v4 =	vld [tilespmem:s1+$0xFFFFFF00]  }
0x40: {  	v5 =	vld [tilespmem:s6+$0xFFFFFF10]  }
0x41: {  	v0 =	vld [tilespmem:$0x8800]  }
0x42: {  	v1 =	vld [tilespmem:$0x8810];
	_ =	sdelay $0x2  }
0x43: {  	v2 =	vmul.f32 v4, v2;
	v3 =	vmul.f32 v3, v5;
	_ =	sdelay $0x1  }
0x44: {  	v2 =	vmul.f32 v2, v0;
	v3 =	vmul.f32 v3, v1;
	_ =	sdelay $0x1  }
0x45: {  	v2 =	vadd.f32 v3, v2;
	_ =	sdelay $0x1  }
0x46: {  	[tilespmem:$0x8940] =	vst v2  }
0x47: {  	v2 =	vld [tilespmem:s1+$0xFFFFFF30]  }
0x48: {  	v3 =	vld [tilespmem:s1+$0xFFFFFF20]  }
0x49: {  	v4 =	vld [tilespmem:s6+$0xFFFFFF30]  }
0x4a: {  	v5 =	vld [tilespmem:s6+$0xFFFFFF20];
	_ =	sdelay $0x4  }
0x4b: {  	v2 =	vmul.f32 v2, v4;
	v3 =	vmul.f32 v3, v5;
	_ =	sdelay $0x1  }
0x4c: {  	v3 =	vmul.f32 v3, v0;
	v2 =	vmul.f32 v2, v1;
	_ =	sdelay $0x1  }
0x4d: {  	v2 =	vadd.f32 v2, v3;
	_ =	sdelay $0x1  }
0x4e: {  	[tilespmem:$0x8950] =	vst v2  }
0x4f: {  	v2 =	vld [tilespmem:s6+$0xFFFFFF40]  }
0x50: {  	v3 =	vld [tilespmem:s6+$0xFFFFFF50]  }
0x51: {  	v4 =	vld [tilespmem:s1+$0xFFFFFF40]  }
0x52: {  	v5 =	vld [tilespmem:s1+$0xFFFFFF50];
	_ =	sdelay $0x4  }
0x53: {  	v2 =	vmul.f32 v4, v2;
	v3 =	vmul.f32 v5, v3;
	_ =	sdelay $0x1  }
0x54: {  	v2 =	vmul.f32 v2, v0;
	v3 =	vmul.f32 v3, v1;
	_ =	sdelay $0x1  }
0x55: {  	v2 =	vadd.f32 v3, v2;
	_ =	sdelay $0x1  }
0x56: {  	[tilespmem:$0x8960] =	vst v2  }
0x57: {  	v2 =	vld [tilespmem:s1+$0xFFFFFF70]  }
0x58: {  	v3 =	vld [tilespmem:s6+$0xFFFFFF70]  }
0x59: {  	v4 =	vld [tilespmem:s6+$0xFFFFFF60]  }
0x5a: {  	v5 =	vld [tilespmem:s1+$0xFFFFFF60];
	_ =	sdelay $0x4  }
0x5b: {  	v2 =	vmul.f32 v2, v3;
	v3 =	vmul.f32 v5, v4;
	_ =	sdelay $0x1  }
0x5c: {  	v2 =	vmul.f32 v2, v1;
	v3 =	vmul.f32 v3, v0;
	_ =	sdelay $0x1  }
0x5d: {  	v2 =	vadd.f32 v2, v3;
	_ =	sdelay $0x1  }
0x5e: {  	[tilespmem:$0x8970] =	vst v2  }
0x5f: {  	v2 =	vld [tilespmem:s1+$0xFFFFFF90]  }
0x60: {  	v3 =	vld [tilespmem:s6+$0xFFFFFF90]  }
0x61: {  	v4 =	vld [tilespmem:s6+$0xFFFFFF80]  }
0x62: {  	v5 =	vld [tilespmem:s1+$0xFFFFFF80];
	_ =	sdelay $0x4  }
0x63: {  	v2 =	vmul.f32 v2, v3;
	v3 =	vmul.f32 v5, v4;
	_ =	sdelay $0x1  }
0x64: {  	v2 =	vmul.f32 v2, v1;
	v3 =	vmul.f32 v3, v0;
	_ =	sdelay $0x1  }
0x65: {  	v2 =	vadd.f32 v2, v3;
	_ =	sdelay $0x1  }
0x66: {  	[tilespmem:$0x8980] =	vst v2  }
0x67: {  	v2 =	vld [tilespmem:s1+$0xFFFFFFB0]  }
0x68: {  	v3 =	vld [tilespmem:s6+$0xFFFFFFB0]  }
0x69: {  	v4 =	vld [tilespmem:s6+$0xFFFFFFA0]  }
0x6a: {  	v5 =	vld [tilespmem:s1+$0xFFFFFFA0];
	_ =	sdelay $0x4  }
0x6b: {  	v2 =	vmul.f32 v2, v3;
	v3 =	vmul.f32 v5, v4;
	_ =	sdelay $0x1  }
0x6c: {  	v2 =	vmul.f32 v2, v1;
	v3 =	vmul.f32 v3, v0;
	_ =	sdelay $0x1  }
0x6d: {  	v2 =	vadd.f32 v2, v3;
	_ =	sdelay $0x1  }
0x6e: {  	[tilespmem:$0x8990] =	vst v2  }
0x6f: {  	v2 =	vld [tilespmem:s6+$0xFFFFFFD0]  }
0x70: {  	v3 =	vld [tilespmem:s6+$0xFFFFFFC0]  }
0x71: {  	v4 =	vld [tilespmem:s1+$0xFFFFFFD0]  }
0x72: {  	v5 =	vld [tilespmem:s1+$0xFFFFFFC0];
	_ =	sdelay $0x4  }
0x73: {  	v2 =	vmul.f32 v4, v2;
	v3 =	vmul.f32 v5, v3;
	_ =	sdelay $0x1  }
0x74: {  	v3 =	vmul.f32 v3, v0;
	v2 =	vmul.f32 v2, v1;
	_ =	sdelay $0x1  }
0x75: {  	v2 =	vadd.f32 v2, v3;
	_ =	sdelay $0x1  }
0x76: {  	[tilespmem:$0x89A0] =	vst v2  }
0x77: {  	v2 =	vld [tilespmem:s6+$0xFFFFFFE0]  }
0x78: {  	v3 =	vld [tilespmem:s6+$0xFFFFFFF0]  }
0x79: {  	v4 =	vld [tilespmem:s1+$0xFFFFFFE0]  }
0x7a: {  	v5 =	vld [tilespmem:s1+$0xFFFFFFF0];
	_ =	sdelay $0x4  }
0x7b: {  	v2 =	vmul.f32 v4, v2;
	v3 =	vmul.f32 v5, v3;
	_ =	sdelay $0x1  }
0x7c: {  	v2 =	vmul.f32 v2, v0;
	v3 =	vmul.f32 v3, v1;
	_ =	sdelay $0x1  }
0x7d: {  	v2 =	vadd.f32 v3, v2;
	_ =	sdelay $0x1  }
0x7e: {  	[tilespmem:$0x89B0] =	vst v2  }
0x7f: {  	v2 =	vld [tilespmem:s1+$0x10]  }
0x80: {  	v3 =	vld [tilespmem:s6+$0x10]  }
0x81: {  	v4 =	vld [tilespmem:s6+$0x0]  }
0x82: {  	v5 =	vld [tilespmem:s1+$0x0];
	_ =	sdelay $0x4  }
0x83: {  	v2 =	vmul.f32 v2, v3;
	v3 =	vmul.f32 v5, v4;
	_ =	sdelay $0x1  }
0x84: {  	v2 =	vmul.f32 v2, v1;
	v3 =	vmul.f32 v3, v0;
	_ =	sdelay $0x1  }
0x85: {  	v2 =	vadd.f32 v2, v3;
	_ =	sdelay $0x1  }
0x86: {  	[tilespmem:$0x89C0] =	vst v2  }
0x87: {  	v2 =	vld [tilespmem:s1+$0x30]  }
0x88: {  	v3 =	vld [tilespmem:s6+$0x30]  }
0x89: {  	v4 =	vld [tilespmem:s6+$0x20]  }
0x8a: {  	v5 =	vld [tilespmem:s1+$0x20];
	_ =	sdelay $0x4  }
0x8b: {  	v2 =	vmul.f32 v2, v3;
	v3 =	vmul.f32 v5, v4;
	_ =	sdelay $0x1  }
0x8c: {  	v2 =	vmul.f32 v2, v1;
	v3 =	vmul.f32 v3, v0;
	_ =	sdelay $0x1  }
0x8d: {  	v2 =	vadd.f32 v2, v3;
	_ =	sdelay $0x1  }
0x8e: {  	[tilespmem:$0x89D0] =	vst v2  }
0x8f: {  	v2 =	vld [tilespmem:s1+$0x50]  }
0x90: {  	v3 =	vld [tilespmem:s6+$0x50]  }
0x91: {  	v4 =	vld [tilespmem:s6+$0x40]  }
0x92: {  	v5 =	vld [tilespmem:s1+$0x40];
	_ =	sdelay $0x4  }
0x93: {  	v2 =	vmul.f32 v2, v3;
	v3 =	vmul.f32 v5, v4;
	_ =	sdelay $0x1  }
0x94: {  	v2 =	vmul.f32 v2, v1;
	v3 =	vmul.f32 v3, v0;
	_ =	sdelay $0x1  }
0x95: {  	v2 =	vadd.f32 v2, v3;
	_ =	sdelay $0x1  }
0x96: {  	[tilespmem:$0x89E0] =	vst v2  }
0x97: {  	v2 =	vld [tilespmem:s6+$0x70]  }
0x98: {  	v3 =	vld [tilespmem:s6+$0x60]  }
0x99: {  	v4 =	vld [tilespmem:s1+$0x70]  }
0x9a: {  	v5 =	vld [tilespmem:s1+$0x60];
	_ =	sdelay $0x4  }
0x9b: {  	v2 =	vmul.f32 v4, v2;
	v3 =	vmul.f32 v5, v3;
	_ =	sdelay $0x1  }
0x9c: {  	v3 =	vmul.f32 v3, v0;
	v2 =	vmul.f32 v2, v1;
	_ =	sdelay $0x1  }
0x9d: {  	v2 =	vadd.f32 v2, v3;
	_ =	sdelay $0x1  }
0x9e: {  	[tilespmem:$0x89F0] =	vst v2  }
0x9f: {  	v2 =	vld [tilespmem:s6+$0x90]  }
0xa0: {  	v3 =	vld [tilespmem:s1+$0x80]  }
0xa1: {  	v4 =	vld [tilespmem:s6+$0x80]  }
0xa2: {  	v5 =	vld [tilespmem:s1+$0x90];
	_ =	sdelay $0x4  }
0xa3: {  	v3 =	vmul.f32 v3, v4;
	v2 =	vmul.f32 v5, v2;
	_ =	sdelay $0x1  }
0xa4: {  	v3 =	vmul.f32 v3, v0;
	v2 =	vmul.f32 v2, v1;
	_ =	sdelay $0x1  }
0xa5: {  	v2 =	vadd.f32 v2, v3;
	_ =	sdelay $0x1  }
0xa6: {  	[tilespmem:$0x8A00] =	vst v2  }
0xa7: {  	v2 =	vld [tilespmem:s6+$0xA0]  }
0xa8: {  	v3 =	vld [tilespmem:s1+$0xB0]  }
0xa9: {  	v4 =	vld [tilespmem:s6+$0xB0]  }
0xaa: {  	v5 =	vld [tilespmem:s1+$0xA0];
	_ =	sdelay $0x4  }
0xab: {  	v3 =	vmul.f32 v3, v4;
	v2 =	vmul.f32 v5, v2;
	_ =	sdelay $0x1  }
0xac: {  	v2 =	vmul.f32 v2, v0;
	v3 =	vmul.f32 v3, v1;
	_ =	sdelay $0x1  }
0xad: {  	v2 =	vadd.f32 v3, v2;
	_ =	sdelay $0x1  }
0xae: {  	[tilespmem:$0x8A10] =	vst v2  }
0xaf: {  	v2 =	vld [tilespmem:s1+$0xD0]  }
0xb0: {  	v3 =	vld [tilespmem:s6+$0xD0]  }
0xb1: {  	v4 =	vld [tilespmem:s6+$0xC0]  }
0xb2: {  	v5 =	vld [tilespmem:s1+$0xC0];
	_ =	sdelay $0x4  }
0xb3: {  	v14 =	vld [tilespmem:$0x8820];
	v2 =	vmul.f32 v2, v3;
	v4 =	vmul.f32 v5, v4  }
0xb4: {  	v15 =	vld [tilespmem:$0x8830]  }
0xb5: {  	v6 =	vld [tilespmem:$0x8910];
	v2 =	vmul.f32 v2, v1;
	v5 =	vmul.f32 v4, v0  }
0xb6: {  	v7 =	vld [tilespmem:$0x8900]  }
0xb7: {  	v8 =	vld [tilespmem:$0x88F0];
	v2 =	vadd.f32 v2, v5  }
0xb8: {  	v9 =	vld [tilespmem:$0x88E0]  }
0xb9: {  	v10 =	vld [tilespmem:$0x88D0];
	[tilespmem:$0x8A20] =	vst v2  }
0xba: {  	v2 =	vld [tilespmem:s6+$0xF0]  }
0xbb: {  	v12 =	vld [tilespmem:s1+$0xE0]  }
0xbc: {  	v13 =	vld [tilespmem:s1+$0xF0]  }
0xbd: {  	v16 =	vld [tilespmem:s6+$0xE0]  }
0xbe: {  	v11 =	vld [tilespmem:$0x88C0]  }
0xbf: {  	v3 =	vld [tilespmem:$0x8860]  }
0xc0: {  	v4 =	vld [tilespmem:$0x8930]  }
0xc1: {  	v5 =	vld [tilespmem:$0x8920]  }
0xc2: {  	v17 =	vmul.f32 v13, v2;
	v16 =	vmul.f32 v12, v16;
	v12 =	vld [tilespmem:$0x88B0]  }
0xc3: {  	v13 =	vld [tilespmem:$0x8840]  }
0xc4: {  	s3 =	simm.s32 $0x0;
	s2 =	simm.s32 $0x40;
	v2 =	vadd.f32 v15, v14;
	v14 =	vld [tilespmem:$0x8850];
	v15 =	vmul.f32 v17, v1;
	v16 =	vmul.f32 v16, v0  }
.LBB2_2:
0xc5: {  	p0 =	sne.s32 s2, $0x7C0;
	v17 =	vld [tilespmem:$0x88A0];
	s6 =	sadd.s32 $0x200, s6;
	s1 =	sadd.s32 $0x200, s1  }
0xc6: {  	s17 =	smov.u32 s2;
	s2 =	sadd.s32 $0x40, s2;
	v15 =	vadd.f32 v15, v16;
	v16 =	vld [tilespmem:$0x8870]  }
0xc7: {  	v18 =	vld [tilespmem:$0x8880]  }
0xc8: {  	s15 =	sshra.s32 s3, $0x2;
	s3 =	smov.u32 s17;
	[tilespmem:$0x8A30] =	vst v15;
	v15 =	vld [tilespmem:$0x8890]  }
0xc9: {  	v19 =	vld [tilespmem:s15+$0x8400]  }
0xca: {  	v20 =	vld [tilespmem:s15+$0x8600]  }
0xcb: {  	v13 =	vld.idx.msk [tilespmem:v13+s30+$0x0], $0xffff  }
0xcc: {  	v14 =	vld.idx.msk [tilespmem:v14+s30+$0x0], $0xffff  }
0xcd: {  	v3 =	vld.idx.msk [tilespmem:v3+s30+$0x0], $0xffff  }
0xce: {  	v16 =	vld.idx.msk [tilespmem:v16+s30+$0x0], $0xffff  }
0xcf: {  	v19 =	vadd.f32 v20, v19;
	v18 =	vld.idx.msk [tilespmem:v18+s30+$0x0], $0xffff  }
0xd0: {  	v15 =	vld.idx.msk [tilespmem:v15+s30+$0x0], $0xffff  }
0xd1: {  	v19 =	vadd.f32 v19, v2;
	v17 =	vld.idx.msk [tilespmem:v17+s30+$0x0], $0xffff  }
0xd2: {  	v12 =	vld.idx.msk [tilespmem:v12+s30+$0x0], $0xffff  }
0xd3: {  	v13 =	vadd.f32 v13, v19;
	v11 =	vld.idx.msk [tilespmem:v11+s30+$0x0], $0xffff  }
0xd4: {  	v10 =	vld.idx.msk [tilespmem:v10+s30+$0x0], $0xffff  }
0xd5: {  	v13 =	vadd.f32 v14, v13;
	v9 =	vld.idx.msk [tilespmem:v9+s30+$0x0], $0xffff  }
0xd6: {  	v8 =	vld.idx.msk [tilespmem:v8+s30+$0x0], $0xffff  }
0xd7: {  	v3 =	vadd.f32 v3, v13;
	v7 =	vld.idx.msk [tilespmem:v7+s30+$0x0], $0xffff  }
0xd8: {  	v6 =	vld.idx.msk [tilespmem:v6+s30+$0x0], $0xffff  }
0xd9: {  	v3 =	vadd.f32 v16, v3;
	v5 =	vld.idx.msk [tilespmem:v5+s30+$0x0], $0xffff  }
0xda: {  	v4 =	vld.idx.msk [tilespmem:v4+s30+$0x0], $0xffff  }
0xdb: {  	v3 =	vadd.f32 v18, v3;
	_ =	sdelay $0x1  }
0xdc: {  	v3 =	vadd.f32 v15, v3;
	_ =	sdelay $0x1  }
0xdd: {  	v3 =	vadd.f32 v17, v3;
	_ =	sdelay $0x1  }
0xde: {  	v3 =	vadd.f32 v12, v3;
	_ =	sdelay $0x1  }
0xdf: {  	v3 =	vadd.f32 v11, v3;
	_ =	sdelay $0x1  }
0xe0: {  	v3 =	vadd.f32 v10, v3;
	_ =	sdelay $0x1  }
0xe1: {  	v3 =	vadd.f32 v9, v3;
	_ =	sdelay $0x1  }
0xe2: {  	v3 =	vadd.f32 v8, v3;
	_ =	sdelay $0x1  }
0xe3: {  	v3 =	vadd.f32 v7, v3;
	_ =	sdelay $0x1  }
0xe4: {  	v3 =	vadd.f32 v6, v3;
	_ =	sdelay $0x1  }
0xe5: {  	v3 =	vadd.f32 v5, v3;
	_ =	sdelay $0x1  }
0xe6: {  	v3 =	vadd.f32 v4, v3;
	_ =	sdelay $0x1  }
0xe7: {  	[tilespmem:s15+$0x8A40] =	vst v3  }
0xe8: {  	v4 =	vld [tilespmem:s6+$0xFFFFFF00]  }
0xe9: {  	v5 =	vld [tilespmem:s1+$0xFFFFFF10]  }
0xea: {  	v6 =	vld [tilespmem:s1+$0xFFFFFF00]  }
0xeb: {  	v7 =	vld [tilespmem:s6+$0xFFFFFF10]  }
0xec: {  	v3 =	vld [tilespmem:$0x8860];
	_ =	sdelay $0x2  }
0xed: {  	v4 =	vmul.f32 v6, v4  }
0xee: {  	v5 =	vmul.f32 v5, v7;
	_ =	sdelay $0x1  }
0xef: {  	v4 =	vmul.f32 v4, v0;
	v5 =	vmul.f32 v5, v1;
	_ =	sdelay $0x1  }
0xf0: {  	v4 =	vadd.f32 v5, v4;
	_ =	sdelay $0x1  }
0xf1: {  	[tilespmem:$0x8940] =	vst v4  }
0xf2: {  	v4 =	vld [tilespmem:s1+$0xFFFFFF30]  }
0xf3: {  	v5 =	vld [tilespmem:s1+$0xFFFFFF20]  }
0xf4: {  	v6 =	vld [tilespmem:s6+$0xFFFFFF30]  }
0xf5: {  	v7 =	vld [tilespmem:s6+$0xFFFFFF20];
	_ =	sdelay $0x3  }
0xf6: {  	v4 =	vmul.f32 v4, v6  }
0xf7: {  	v5 =	vmul.f32 v5, v7;
	_ =	sdelay $0x1  }
0xf8: {  	v4 =	vmul.f32 v4, v1;
	v5 =	vmul.f32 v5, v0;
	_ =	sdelay $0x1  }
0xf9: {  	v4 =	vadd.f32 v4, v5;
	_ =	sdelay $0x1  }
0xfa: {  	[tilespmem:$0x8950] =	vst v4  }
0xfb: {  	v4 =	vld [tilespmem:s6+$0xFFFFFF40]  }
0xfc: {  	v5 =	vld [tilespmem:s6+$0xFFFFFF50]  }
0xfd: {  	v6 =	vld [tilespmem:s1+$0xFFFFFF40]  }
0xfe: {  	v7 =	vld [tilespmem:s1+$0xFFFFFF50];
	_ =	sdelay $0x3  }
0xff: {  	v4 =	vmul.f32 v6, v4  }
0x100: {  	v5 =	vmul.f32 v7, v5  }
0x101: {  	v4 =	vmul.f32 v4, v0  }
0x102: {  	v5 =	vmul.f32 v5, v1;
	_ =	sdelay $0x1  }
0x103: {  	v4 =	vadd.f32 v5, v4;
	_ =	sdelay $0x1  }
0x104: {  	[tilespmem:$0x8960] =	vst v4  }
0x105: {  	v4 =	vld [tilespmem:s1+$0xFFFFFF70]  }
0x106: {  	v5 =	vld [tilespmem:s6+$0xFFFFFF70]  }
0x107: {  	v6 =	vld [tilespmem:s6+$0xFFFFFF60]  }
0x108: {  	v7 =	vld [tilespmem:s1+$0xFFFFFF60];
	_ =	sdelay $0x2  }
0x109: {  	v4 =	vmul.f32 v4, v5;
	_ =	sdelay $0x1  }
0x10a: {  	v5 =	vmul.f32 v7, v6;
	v4 =	vmul.f32 v4, v1;
	_ =	sdelay $0x1  }
0x10b: {  	v5 =	vmul.f32 v5, v0;
	_ =	sdelay $0x1  }
0x10c: {  	v4 =	vadd.f32 v4, v5;
	_ =	sdelay $0x1  }
0x10d: {  	[tilespmem:$0x8970] =	vst v4  }
0x10e: {  	v4 =	vld [tilespmem:s1+$0xFFFFFF90]  }
0x10f: {  	v5 =	vld [tilespmem:s6+$0xFFFFFF90]  }
0x110: {  	v6 =	vld [tilespmem:s6+$0xFFFFFF80]  }
0x111: {  	v7 =	vld [tilespmem:s1+$0xFFFFFF80];
	_ =	sdelay $0x2  }
0x112: {  	v4 =	vmul.f32 v4, v5;
	_ =	sdelay $0x1  }
0x113: {  	v5 =	vmul.f32 v7, v6;
	v4 =	vmul.f32 v4, v1;
	_ =	sdelay $0x1  }
0x114: {  	v5 =	vmul.f32 v5, v0;
	_ =	sdelay $0x1  }
0x115: {  	v4 =	vadd.f32 v4, v5;
	_ =	sdelay $0x1  }
0x116: {  	[tilespmem:$0x8980] =	vst v4  }
0x117: {  	v4 =	vld [tilespmem:s1+$0xFFFFFFB0]  }
0x118: {  	v5 =	vld [tilespmem:s6+$0xFFFFFFB0]  }
0x119: {  	v6 =	vld [tilespmem:s6+$0xFFFFFFA0]  }
0x11a: {  	v7 =	vld [tilespmem:s1+$0xFFFFFFA0];
	_ =	sdelay $0x2  }
0x11b: {  	v4 =	vmul.f32 v4, v5;
	_ =	sdelay $0x1  }
0x11c: {  	v5 =	vmul.f32 v7, v6;
	v4 =	vmul.f32 v4, v1;
	_ =	sdelay $0x1  }
0x11d: {  	v5 =	vmul.f32 v5, v0;
	_ =	sdelay $0x1  }
0x11e: {  	v4 =	vadd.f32 v4, v5;
	_ =	sdelay $0x1  }
0x11f: {  	[tilespmem:$0x8990] =	vst v4  }
0x120: {  	v4 =	vld [tilespmem:s6+$0xFFFFFFD0]  }
0x121: {  	v5 =	vld [tilespmem:s6+$0xFFFFFFC0]  }
0x122: {  	v6 =	vld [tilespmem:s1+$0xFFFFFFD0]  }
0x123: {  	v7 =	vld [tilespmem:s1+$0xFFFFFFC0];
	_ =	sdelay $0x3  }
0x124: {  	v4 =	vmul.f32 v6, v4  }
0x125: {  	v5 =	vmul.f32 v7, v5;
	_ =	sdelay $0x1  }
0x126: {  	v4 =	vmul.f32 v4, v1;
	v5 =	vmul.f32 v5, v0;
	_ =	sdelay $0x1  }
0x127: {  	v4 =	vadd.f32 v4, v5;
	_ =	sdelay $0x1  }
0x128: {  	[tilespmem:$0x89A0] =	vst v4  }
0x129: {  	v4 =	vld [tilespmem:s6+$0xFFFFFFE0]  }
0x12a: {  	v5 =	vld [tilespmem:s6+$0xFFFFFFF0]  }
0x12b: {  	v6 =	vld [tilespmem:s1+$0xFFFFFFE0]  }
0x12c: {  	v7 =	vld [tilespmem:s1+$0xFFFFFFF0];
	_ =	sdelay $0x3  }
0x12d: {  	v4 =	vmul.f32 v6, v4  }
0x12e: {  	v5 =	vmul.f32 v7, v5  }
0x12f: {  	v4 =	vmul.f32 v4, v0  }
0x130: {  	v5 =	vmul.f32 v5, v1;
	_ =	sdelay $0x1  }
0x131: {  	v4 =	vadd.f32 v5, v4;
	_ =	sdelay $0x1  }
0x132: {  	[tilespmem:$0x89B0] =	vst v4  }
0x133: {  	v4 =	vld [tilespmem:s1+$0x10]  }
0x134: {  	v5 =	vld [tilespmem:s6+$0x10]  }
0x135: {  	v6 =	vld [tilespmem:s6+$0x0]  }
0x136: {  	v7 =	vld [tilespmem:s1+$0x0];
	_ =	sdelay $0x2  }
0x137: {  	v4 =	vmul.f32 v4, v5;
	_ =	sdelay $0x1  }
0x138: {  	v5 =	vmul.f32 v7, v6;
	v4 =	vmul.f32 v4, v1;
	_ =	sdelay $0x1  }
0x139: {  	v5 =	vmul.f32 v5, v0;
	_ =	sdelay $0x1  }
0x13a: {  	v4 =	vadd.f32 v4, v5;
	_ =	sdelay $0x1  }
0x13b: {  	[tilespmem:$0x89C0] =	vst v4  }
0x13c: {  	v4 =	vld [tilespmem:s1+$0x30]  }
0x13d: {  	v5 =	vld [tilespmem:s6+$0x30]  }
0x13e: {  	v6 =	vld [tilespmem:s6+$0x20]  }
0x13f: {  	v7 =	vld [tilespmem:s1+$0x20];
	_ =	sdelay $0x2  }
0x140: {  	v4 =	vmul.f32 v4, v5;
	_ =	sdelay $0x1  }
0x141: {  	v5 =	vmul.f32 v7, v6;
	v4 =	vmul.f32 v4, v1;
	_ =	sdelay $0x1  }
0x142: {  	v5 =	vmul.f32 v5, v0;
	_ =	sdelay $0x1  }
0x143: {  	v4 =	vadd.f32 v4, v5;
	_ =	sdelay $0x1  }
0x144: {  	[tilespmem:$0x89D0] =	vst v4  }
0x145: {  	v4 =	vld [tilespmem:s1+$0x50]  }
0x146: {  	v5 =	vld [tilespmem:s6+$0x50]  }
0x147: {  	v6 =	vld [tilespmem:s6+$0x40]  }
0x148: {  	v7 =	vld [tilespmem:s1+$0x40];
	_ =	sdelay $0x2  }
0x149: {  	v4 =	vmul.f32 v4, v5;
	_ =	sdelay $0x1  }
0x14a: {  	v5 =	vmul.f32 v7, v6;
	v4 =	vmul.f32 v4, v1;
	_ =	sdelay $0x1  }
0x14b: {  	v5 =	vmul.f32 v5, v0;
	_ =	sdelay $0x1  }
0x14c: {  	v4 =	vadd.f32 v4, v5;
	_ =	sdelay $0x1  }
0x14d: {  	[tilespmem:$0x89E0] =	vst v4  }
0x14e: {  	v4 =	vld [tilespmem:s6+$0x70]  }
0x14f: {  	v5 =	vld [tilespmem:s6+$0x60]  }
0x150: {  	v6 =	vld [tilespmem:s1+$0x70]  }
0x151: {  	v7 =	vld [tilespmem:s1+$0x60];
	_ =	sdelay $0x3  }
0x152: {  	v4 =	vmul.f32 v6, v4  }
0x153: {  	v5 =	vmul.f32 v7, v5;
	_ =	sdelay $0x1  }
0x154: {  	v4 =	vmul.f32 v4, v1;
	v5 =	vmul.f32 v5, v0;
	_ =	sdelay $0x1  }
0x155: {  	v4 =	vadd.f32 v4, v5;
	_ =	sdelay $0x1  }
0x156: {  	[tilespmem:$0x89F0] =	vst v4  }
0x157: {  	v4 =	vld [tilespmem:s6+$0x90]  }
0x158: {  	v5 =	vld [tilespmem:s1+$0x80]  }
0x159: {  	v6 =	vld [tilespmem:s6+$0x80]  }
0x15a: {  	v7 =	vld [tilespmem:s1+$0x90];
	_ =	sdelay $0x3  }
0x15b: {  	v5 =	vmul.f32 v5, v6  }
0x15c: {  	v4 =	vmul.f32 v7, v4  }
0x15d: {  	v5 =	vmul.f32 v5, v0  }
0x15e: {  	v4 =	vmul.f32 v4, v1;
	_ =	sdelay $0x1  }
0x15f: {  	v4 =	vadd.f32 v4, v5;
	_ =	sdelay $0x1  }
0x160: {  	[tilespmem:$0x8A00] =	vst v4  }
0x161: {  	v4 =	vld [tilespmem:s6+$0xA0]  }
0x162: {  	v5 =	vld [tilespmem:s1+$0xB0]  }
0x163: {  	v6 =	vld [tilespmem:s6+$0xB0]  }
0x164: {  	v7 =	vld [tilespmem:s1+$0xA0];
	_ =	sdelay $0x3  }
0x165: {  	v5 =	vmul.f32 v5, v6  }
0x166: {  	v4 =	vmul.f32 v7, v4;
	_ =	sdelay $0x1  }
0x167: {  	v5 =	vmul.f32 v5, v1;
	v4 =	vmul.f32 v4, v0;
	_ =	sdelay $0x1  }
0x168: {  	v4 =	vadd.f32 v5, v4;
	_ =	sdelay $0x1  }
0x169: {  	[tilespmem:$0x8A10] =	vst v4  }
0x16a: {  	v4 =	vld [tilespmem:s1+$0xD0]  }
0x16b: {  	v5 =	vld [tilespmem:s6+$0xD0]  }
0x16c: {  	v6 =	vld [tilespmem:s6+$0xC0]  }
0x16d: {  	v7 =	vld [tilespmem:s1+$0xC0];
	_ =	sdelay $0x2  }
0x16e: {  	v4 =	vmul.f32 v4, v5;
	_ =	sdelay $0x1  }
0x16f: {  	v5 =	vmul.f32 v7, v6;
	v6 =	vmul.f32 v4, v1;
	_ =	sdelay $0x1  }
0x170: {  	v5 =	vmul.f32 v5, v0  }
0x171: {  	v4 =	vld [tilespmem:$0x8930]  }
0x172: {  	v7 =	vadd.f32 v6, v5;
	v5 =	vld [tilespmem:$0x8920]  }
0x173: {  	v6 =	vld [tilespmem:$0x8910]  }
0x174: {  	[tilespmem:$0x8A20] =	vst v7;
	v7 =	vld [tilespmem:$0x8900]  }
0x175: {  	v11 =	vld [tilespmem:s6+$0xF0]  }
0x176: {  	v12 =	vld [tilespmem:s1+$0xE0]  }
0x177: {  	v13 =	vld [tilespmem:s1+$0xF0]  }
0x178: {  	v14 =	vld [tilespmem:s6+$0xE0]  }
0x179: {  	v8 =	vld [tilespmem:$0x88F0]  }
0x17a: {  	v9 =	vld [tilespmem:$0x88E0]  }
.Ltmp0:
0x17b: {  	v10 =	vld [tilespmem:$0x88D0];
	(pc) =	sbr.rel @p0 .LBB2_2-.Ltmp0, $4  }
0x17c: {  	v13 =	vmul.f32 v13, v11;
	v11 =	vld [tilespmem:$0x88C0]  }
0x17d: {  	v14 =	vmul.f32 v12, v14;
	v12 =	vld [tilespmem:$0x88B0]  }
0x17e: {  	v15 =	vmul.f32 v13, v1;
	v13 =	vld [tilespmem:$0x8840]  }
0x17f: {  	v16 =	vmul.f32 v14, v0;
	v14 =	vld [tilespmem:$0x8850]  }
0x180: {  	_ = 	snop  }
0x181: {  	v0 =	vadd.f32 v15, v16;
	_ =	sdelay $0x1  }
0x182: {  	s1 =	sshra.s32 s3, $0x2;
	[tilespmem:$0x8A30] =	vst v0  }
0x183: {  	v0 =	vld [tilespmem:s1+$0x8400]  }
0x184: {  	v1 =	vld [tilespmem:s1+$0x8600];
	_ =	sdelay $0x1  }
0x185: {  	v46 =	vld [tilespmem:$0x8870]  }
0x186: {  	v47 =	vld [tilespmem:$0x8880]  }
0x187: {  	v13 =	vld.idx.msk [tilespmem:v13+s30+$0x0], $0xffff  }
0x188: {  	v17 =	vld [tilespmem:$0x8890];
	v0 =	vadd.f32 v1, v0  }
0x189: {  	v48 =	vld.idx.msk [tilespmem:v14+s30+$0x0], $0xffff  }
0x18a: {  	v49 =	vld [tilespmem:$0x88A0];
	v0 =	vadd.f32 v0, v2  }
0x18b: {  	v50 =	vld.idx.msk [tilespmem:v3+s30+$0x0], $0xffff  }
0x18c: {  	v0 =	vadd.f32 v13, v0  }
0x18d: {  	v51 =	vld.idx.msk [tilespmem:v46+s30+$0x0], $0xffff  }
0x18e: {  	v0 =	vadd.f32 v48, v0  }
0x18f: {  	v52 =	vld.idx.msk [tilespmem:v47+s30+$0x0], $0xffff  }
0x190: {  	v0 =	vadd.f32 v50, v0  }
0x191: {  	v53 =	vld.idx.msk [tilespmem:v17+s30+$0x0], $0xffff  }
0x192: {  	v0 =	vadd.f32 v51, v0  }
0x193: {  	v54 =	vld.idx.msk [tilespmem:v49+s30+$0x0], $0xffff  }
0x194: {  	v0 =	vadd.f32 v52, v0  }
0x195: {  	v55 =	vld.idx.msk [tilespmem:v12+s30+$0x0], $0xffff  }
0x196: {  	v0 =	vadd.f32 v53, v0  }
0x197: {  	v56 =	vld.idx.msk [tilespmem:v11+s30+$0x0], $0xffff  }
0x198: {  	v0 =	vadd.f32 v54, v0  }
0x199: {  	v57 =	vld.idx.msk [tilespmem:v10+s30+$0x0], $0xffff  }
0x19a: {  	v0 =	vadd.f32 v55, v0  }
0x19b: {  	v58 =	vld.idx.msk [tilespmem:v9+s30+$0x0], $0xffff  }
0x19c: {  	v0 =	vadd.f32 v56, v0  }
0x19d: {  	v59 =	vld.idx.msk [tilespmem:v8+s30+$0x0], $0xffff  }
0x19e: {  	v0 =	vadd.f32 v57, v0  }
0x19f: {  	v60 =	vld.idx.msk [tilespmem:v7+s30+$0x0], $0xffff  }
0x1a0: {  	v0 =	vadd.f32 v58, v0  }
0x1a1: {  	v61 =	vld.idx.msk [tilespmem:v6+s30+$0x0], $0xffff  }
0x1a2: {  	v0 =	vadd.f32 v59, v0  }
0x1a3: {  	v62 =	vld.idx.msk [tilespmem:v5+s30+$0x0], $0xffff  }
0x1a4: {  	v0 =	vadd.f32 v60, v0  }
0x1a5: {  	v63 =	vld.idx.msk [tilespmem:v4+s30+$0x0], $0xffff  }
0x1a6: {  	v0 =	vadd.f32 v61, v0;
	_ =	sdelay $0x1  }
0x1a7: {  	v0 =	vadd.f32 v62, v0;
	_ =	sdelay $0x1  }
0x1a8: {  	s0 =	sadd.s32 $0x1, s0;
	v0 =	vadd.f32 v63, v0  }
0x1a9: {  	p0 =	sne.s32 s0, s14  }
.Ltmp1:
0x1aa: {  	[tilespmem:s1+$0x8A40] =	vst v0;
	(pc) =	sbr.rel @p0 .LBB2_1-.Ltmp1, $4  }
0x1ab: {  	[hbm4b:s13+s4] =	stream.linear.scatter [tilespmem:s31], [sflag:$0x5], $0x200, $0x38;
	[tilespmem:$0x8C40] =	vst v63  }
0x1ac: {  	_ =	swait.ge [sflag:s16], $0x200  }
0x1ad: {  	[sflag:s16] =	ssyncset.done $0x0  }
0x1ae: {  	[sflag:s16] =	ssyncadd.s32 $0xFFFFFE00  }
0x1af: {  	_ =	sfence.sel $0x180000  }
0x1b0: {  	[bflag:$0x0] =	sbarrier.arrive $0xFFFF  }
0x1b1: {  	_ =	strace $0x90000047  }
0x1b2: {  	s0 =	stileid.u32;
	[bflag:$0x2] =	sbarrier.arrive $0xFFFF  }
0x1b3: {  	p0 =	sne.s32 s0, $0x0;
	s0 =	rddreg [dreg:$0x7]  }
0x1b4: {  	s0 =	sadd.s32 @!p0 $0x100000, s0  }
0x1b5: {  	[sflag:s0] =	ssyncadd.tile.s32 @!p0 $0x1;
	_ =	shalt  }
.Lfunc_end2:
_tile_overlayer_lowered:
.L_overlay_start_2:
0x1b6: {  	(tag) =	ssettag $0x2  }
0x1b7: {  	s0 =	rddreg [dreg:$0x0];
	s2 =	stileid.u32  }
0x1b8: {  	s1 =	rddreg [dreg:$0x1];
	p0 =	sne.s32 s2, $0x0  }
0x1b9: {  	s3 =	rddreg [dreg:$0x2];
	[bflag:$0x3] =	sbarrier.arrive $0xFFFF;
	s2 =	simm.s32 @!p0 $0x1C05  }
0x1ba: {  	[timem:s3], [sflag:s2] =	dma.local @!p0 [hbm:s0], s1  }
0x1bb: {  	s0 =	simm.s32 @!p0 $0x5  }
0x1bc: {  	_ =	swait.ge @!p0 [sflag:s0], s1  }
0x1bd: {  	s1 =	ssub.s32 @!p0 $0x0, s1;
	[sflag:s0] =	ssyncset.done @!p0 $0x0  }
0x1be: {  	[sflag:s0] =	ssyncadd.s32 @!p0 s1  }
0x1bf: {  	[bflag:$0x3] =	sbarrier.arrive $0xFFFF  }
0x1c0: {  	_ =	shalt  }

</sc_bundles>
